<compile_context>
chip_gen: v7x
topology: tpu7x:2x2x1
jax: 0.10.2.dev20260603
libtpu: 0.0.44.dev20260713+nightly
codegen_flags: <defaults>
</compile_context>

<pallas_src>
import jax
import jax.numpy as jnp
from jax import lax
from jax.experimental import pallas as pl
from jax.experimental.pallas import tpu as pltpu
from jax.experimental.pallas import tpu_sc as plsc

N = 4096
L = 16
B = 4096
NSUB = 16
PERW = N // NSUB
LAMB = 0.1
BIG = 3.0e38


def _row_err_body(x_ref, y_ref, o_ref):
    d = x_ref[...] - y_ref[...]
    o_ref[...] = jnp.sum(d * d, axis=1)[None, None, :]


def _row_errors(x, y):
    rows_per_blk = 256
    out = pl.pallas_call(
        _row_err_body,
        grid=(N // rows_per_blk,),
        in_specs=[
            pl.BlockSpec((rows_per_blk, N), lambda i: (i, 0)),
            pl.BlockSpec((rows_per_blk, N), lambda i: (i, 0)),
        ],
        out_specs=pl.BlockSpec((1, 1, rows_per_blk), lambda i: (i, 0, 0)),
        out_shape=jax.ShapeDtypeStruct((N // rows_per_blk, 1, rows_per_blk),
                                       jnp.float32),
    )(x, y)
    return out.reshape(N)


def _finish_body(err_hbm, out_hbm,
                 err_v, sumv, cnt, head, cs_v, csq_v, out_v):
    cid = lax.axis_index("c")
    sid = lax.axis_index("s")
    wid = sid * 2 + cid

    @pl.when(wid == 0)
    def _():
        pltpu.sync_copy(err_hbm, err_v)

        zf = jnp.zeros((L,), jnp.float32)

        def zero(j, mm):
            mnv, mxv, sacc = mm
            sumv[pl.ds(j * L, L)] = zf
            cnt[pl.ds(j * L, L)] = zf
            head[pl.ds(j * L, L)] = zf
            v = err_v[pl.ds(j * L, L)]
            return (jnp.minimum(mnv, v), jnp.maximum(mxv, v), sacc + v)

        mnv, mxv, sacc = lax.fori_loop(
            0, B // L, zero,
            (jnp.full((L,), jnp.float32(BIG)),
             jnp.full((L,), jnp.float32(-BIG)),
             jnp.zeros((L,), jnp.float32)),
            unroll=8)
        mns = jnp.full((L,), jnp.min(mnv))
        mxs = jnp.full((L,), jnp.max(mxv))
        scalev = jnp.full((L,), jnp.float32(B)) / (
            mxs - mns + jnp.full((L,), jnp.float32(1e-20)))

        ones = jnp.ones((L,), jnp.float32)
        bmax = jnp.full((L,), B - 1, jnp.int32)
        Nf = jnp.float32(N)
        nfv = jnp.full((L,), Nf)
        muv = jnp.full((L,), jnp.sum(sacc)) / nfv

        def scat(j, sbacc):
            v = err_v[pl.ds(j * L, L)]
            b = jnp.minimum(((v - mns) * scalev).astype(jnp.int32), bmax)
            plsc.addupdate_scatter(sumv, [b], v)
            plsc.addupdate_scatter(cnt, [b], ones)
            d = v - muv
            return sbacc + d * d

        sbacc = lax.fori_loop(0, N // L, scat,
                              jnp.zeros((L,), jnp.float32), unroll=8)
        sb_total = jnp.sum(sbacc)

        def bases(j, carry):
            cv = cnt[pl.ds(j * L, L)]
            inc = plsc.cumsum(cv) + jnp.full((L,), carry)
            base = (inc - cv).astype(jnp.int32)
            sv = sumv[pl.ds(j * L, L)]
            avg = sv / jnp.maximum(cv, jnp.float32(1.0))
            plsc.store_scatter(head, [base], avg, mask=cv > 0.5)
            return carry + jnp.sum(cv)

        lax.fori_loop(0, B // L, bases, jnp.float32(0.0), unroll=8)

        def chain(j, carry):
            cmax, csum, csqsum = carry
            hv = head[pl.ds(j * L, L)]
            run = jnp.maximum(plsc.cummax(hv), jnp.full((L,), cmax))
            sq = run * run
            csv = plsc.cumsum(run) + jnp.full((L,), csum)
            csqv = plsc.cumsum(sq) + jnp.full((L,), csqsum)
            cs_v[pl.ds(j * L, L)] = csv
            csq_v[pl.ds(j * L, L)] = csqv
            return (jnp.max(run), csum + jnp.sum(run), csqsum + jnp.sum(sq))

        _, S, SS = lax.fori_loop(
            0, N // L, chain,
            (jnp.float32(0.0), jnp.float32(0.0), jnp.float32(0.0)),
            unroll=8)

        def objloop(j, carry):
            bestv, besttl = carry
            tv = (lax.iota(jnp.int32, L) + (j * L + 1)).astype(jnp.float32)
            csv = cs_v[pl.ds(j * L, L)]
            csqv = csq_v[pl.ds(j * L, L)]
            m_in = csv / tv
            sw1 = csqv - tv * m_in * m_in
            n_out = Nf - tv
            m_out = (S - csv) / n_out
            sw2 = (SS - csqv) - n_out * m_out * m_out
            obj = jnp.where(tv < Nf, sw1 + sw2, jnp.float32(BIG))
            lt = obj < bestv
            return (jnp.where(lt, obj, bestv),
                    jnp.where(lt, tv.astype(jnp.int32), besttl))

        bestv, besttl = lax.fori_loop(
            0, N // L, objloop,
            (jnp.full((L,), jnp.float32(BIG)),
             jnp.full((L,), 2 ** 30, jnp.int32)),
            unroll=8)
        minval = jnp.min(bestv)
        cand = jnp.where(bestv == minval, besttl, jnp.int32(2 ** 30))
        bestt = jnp.min(cand)

        csb = plsc.load_gather(cs_v, [jnp.full((L,), bestt - 1, jnp.int32)])
        sbv = jnp.full((L,), sb_total)
        btf = jnp.full((L,), bestt).astype(jnp.float32)
        out_v[...] = (csb / btf
                      + jnp.float32(LAMB) * (jnp.full((L,), minval) / sbv))
        pltpu.sync_copy(out_v, out_hbm)


def _sc_mesh():
    return plsc.VectorSubcoreMesh(core_axis_name="c", subcore_axis_name="s")


_SC_PARAMS = pltpu.CompilerParams(needs_layout_passes=False)


def _finish(err):
    return pl.kernel(
        _finish_body,
        out_type=jax.ShapeDtypeStruct((L,), jnp.float32),
        mesh=_sc_mesh(),
        compiler_params=_SC_PARAMS,
        scratch_types=[
            pltpu.VMEM((N,), jnp.float32),
            pltpu.VMEM((B,), jnp.float32),
            pltpu.VMEM((B,), jnp.float32),
            pltpu.VMEM((N,), jnp.float32),
            pltpu.VMEM((N,), jnp.float32),
            pltpu.VMEM((N,), jnp.float32),
            pltpu.VMEM((L,), jnp.float32),
        ],
    )(err)


def kernel(input, target):
    err = _row_errors(input, target)
    out = _finish(err)
    return out[:1]

# --- scband reference (transcript-rebuilt; emitter-appended) ---
"""Pipeline reference for scband-draeloss-46024869544164 (READ-ONLY COPY).

The authoritative reference and input builder live on the scoring server;
editing this copy changes nothing except your own understanding.
"""

import jax, jax.numpy as jnp
import numpy as np

LAMB = 0.1
SIZE_AVERAGE = True


def setup_inputs(seed: int = 0) -> dict:
    key = jax.random.key(seed)
    k1, k2 = jax.random.split(key)
    inp = jax.random.normal(k1, (4096, 4096), dtype=jnp.float32)
    tgt = jax.random.normal(k2, (4096, 4096), dtype=jnp.float32)
    return {"input": inp, "target": tgt}


def _drae_forward(inp, tgt):
    # per-sample squared reconstruction error
    diff = (inp - tgt).reshape(inp.shape[0], -1)
    Err = jnp.sum(diff * diff, axis=1)
    N = Err.shape[0]
    sErr = jnp.sort(Err)
    allMean = jnp.mean(sErr)
    Sb = jnp.sum((sErr - allMean) ** 2)
    # vectorized equivalent of the original O(N^2) threshold-search loop.
    # For threshold t = i+1 (t in 1..N-1):
    #   inlierMean(t)  = mean(sErr[:t])   (matches the incremental update in torch code)
    #   outlierMean(t) = mean(sErr[t:])
    #   Sw1 = sum((sErr[:t] - inlierMean)^2),  Sw2 = sum((sErr[t:] - outlierMean)^2)
    cs = jnp.cumsum(sErr)
    csq = jnp.cumsum(sErr * sErr)
    t = jnp.arange(1, N, dtype=sErr.dtype)
    sum_in = cs[:-1]
    sumsq_in = csq[:-1]
    m_in = sum_in / t
    Sw1 = sumsq_in - t * m_in * m_in
    n_out = jnp.asarray(N, sErr.dtype) - t
    sum_out = cs[-1] - sum_in
    sumsq_out = csq[-1] - sumsq_in
    m_out = sum_out / n_out
    Sw2 = sumsq_out - n_out * m_out * m_out
    obj = (Sw1 + Sw2) / Sb
    best = jnp.argmin(obj)  # first minimum, matching strict '<' scan in torch
    optObj = obj[best]
    T_idx = best + 1
    mask = jnp.arange(N) < T_idx
    out = jnp.sum(jnp.where(mask, sErr, jnp.zeros_like(sErr)))
    if SIZE_AVERAGE:
        out = out / T_idx.astype(sErr.dtype)
    out = out + LAMB * optObj
    return out.reshape(1)


def reference(input, target):
    return _drae_forward(input, target)

if __name__ == "__main__":
    import jax
    _d = setup_inputs()
    print(jax.jit(kernel)(*tuple(_d.values())))

</pallas_src>

<mosaic_0001>
#map = affine_map<(d0, d1) -> (0)>
module attributes {stable_mosaic.version = 14 : i64} {
  func.func @_finish_body(%arg0: i32, %arg1: i32, %arg2: memref<4096xf32, #tpu.memory_space<hbm>>, %arg3: memref<16xf32, #tpu.memory_space<hbm>>, %arg4: memref<4096xf32, #tpu.memory_space<vmem>>, %arg5: memref<4096xf32, #tpu.memory_space<vmem>>, %arg6: memref<4096xf32, #tpu.memory_space<vmem>>, %arg7: memref<4096xf32, #tpu.memory_space<vmem>>, %arg8: memref<4096xf32, #tpu.memory_space<vmem>>, %arg9: memref<4096xf32, #tpu.memory_space<vmem>>, %arg10: memref<16xf32, #tpu.memory_space<vmem>>) attributes {dimension_semantics = [#tpu.dimension_semantics<core_parallel>, #tpu.dimension_semantics<subcore_parallel>], iteration_bounds = array<i64: 2, 16>, scalar_prefetch = 0 : i64, scratch_operands = 7 : i64, tpu.core_type = #tpu.core_type<sc_vector_subcore>, window_params = [{transform_indices = #map}, {transform_indices = #map}]} {
    %mul3A = arith.constant 2 : i32
    %mul3A_0 = arith.muli %arg1, %mul3A : i32
    %add3A = arith.addi %mul3A_0, %arg0 : i32
    %eq3A = arith.constant 0 : i32
    %eq3A_1 = arith.cmpi eq, %add3A, %eq3A : i32
    %convert_element_type3A = arith.extui %eq3A_1 : i1 to i32
    %cond3A = arith.constant 0 : i32
    %cond3A_2 = arith.cmpi ne, %convert_element_type3A, %cond3A : i32
    scf.if %cond3A_2 {
      "tpu.region"() ({
        %run_scoped3A = tpu.sem_alloc : memref<!tpu.dma_semaphore, #tpu.memory_space<semaphore_mem>>
        tpu.enqueue_dma source(%arg2 : memref<4096xf32, #tpu.memory_space<hbm>>) target(%arg4 : memref<4096xf32, #tpu.memory_space<vmem>>) target_semaphore(%run_scoped3A : memref<!tpu.dma_semaphore, #tpu.memory_space<semaphore_mem>>)
        tpu.wait_dma2 semaphore(%run_scoped3A : memref<!tpu.dma_semaphore, #tpu.memory_space<semaphore_mem>>) src(%arg2 : memref<4096xf32, #tpu.memory_space<hbm>>) dst(%arg4 : memref<4096xf32, #tpu.memory_space<vmem>>)
        tpu.yield
      }) : () -> ()
      %broadcast_in_dim3A = arith.constant 0.000000e+00 : f32
      %broadcast_in_dim3A_3 = vector.broadcast %broadcast_in_dim3A : f32 to vector<16xf32>
      %broadcast_in_dim3A_4 = arith.constant 3.000000e+38 : f32
      %broadcast_in_dim3A_5 = vector.broadcast %broadcast_in_dim3A_4 : f32 to vector<16xf32>
      %broadcast_in_dim3A_6 = arith.constant -3.000000e+38 : f32
      %broadcast_in_dim3A_7 = vector.broadcast %broadcast_in_dim3A_6 : f32 to vector<16xf32>
      %broadcast_in_dim3A_8 = arith.constant 0.000000e+00 : f32
      %broadcast_in_dim3A_9 = vector.broadcast %broadcast_in_dim3A_8 : f32 to vector<16xf32>
      %scan3A = arith.constant 0 : i32
      %scan3A_10 = arith.constant 256 : i32
      %scan3A_11 = arith.addi %scan3A, %scan3A_10 : i32
      %scan3A_12 = arith.constant 8 : i32
      %scan3A_13:3 = scf.for %scan3A_107 = %scan3A to %scan3A_11 step %scan3A_12 iter_args(%scan3A_108 = %broadcast_in_dim3A_5, %scan3A_109 = %broadcast_in_dim3A_7, %scan3A_110 = %broadcast_in_dim3A_9) -> (vector<16xf32>, vector<16xf32>, vector<16xf32>)  : i32 {
        %mul3A_111 = arith.constant 16 : i32
        %mul3A_112 = arith.muli %scan3A_107, %mul3A_111 : i32
        %swap3A_113 = arith.index_cast %mul3A_112 : i32 to index
        %swap3A_114 = tpu.vector_load %arg5[%swap3A_113] {strides = array<i32>} : memref<4096xf32, #tpu.memory_space<vmem>>, vector<16xf32>,
        tpu.vector_store %arg5[%swap3A_113], %broadcast_in_dim3A_3 {strides = array<i32>} : memref<4096xf32, #tpu.memory_space<vmem>>, vector<16xf32>,
        %mul3A_115 = arith.constant 16 : i32
        %mul3A_116 = arith.muli %scan3A_107, %mul3A_115 : i32
        %swap3A_117 = arith.index_cast %mul3A_116 : i32 to index
        %swap3A_118 = tpu.vector_load %arg6[%swap3A_117] {strides = array<i32>} : memref<4096xf32, #tpu.memory_space<vmem>>, vector<16xf32>,
        tpu.vector_store %arg6[%swap3A_117], %broadcast_in_dim3A_3 {strides = array<i32>} : memref<4096xf32, #tpu.memory_space<vmem>>, vector<16xf32>,
        %mul3A_119 = arith.constant 16 : i32
        %mul3A_120 = arith.muli %scan3A_107, %mul3A_119 : i32
        %swap3A_121 = arith.index_cast %mul3A_120 : i32 to index
        %swap3A_122 = tpu.vector_load %arg7[%swap3A_121] {strides = array<i32>} : memref<4096xf32, #tpu.memory_space<vmem>>, vector<16xf32>,
        tpu.vector_store %arg7[%swap3A_121], %broadcast_in_dim3A_3 {strides = array<i32>} : memref<4096xf32, #tpu.memory_space<vmem>>, vector<16xf32>,
        %mul3A_123 = arith.constant 16 : i32
        %mul3A_124 = arith.muli %scan3A_107, %mul3A_123 : i32
        %get3A = arith.index_cast %mul3A_124 : i32 to index
        %get3A_125 = tpu.vector_load %arg4[%get3A] {strides = array<i32>} : memref<4096xf32, #tpu.memory_space<vmem>>, vector<16xf32>,
        %min3A = arith.minimumf %scan3A_108, %get3A_125 : vector<16xf32>
        %max3A = arith.maximumf %scan3A_109, %get3A_125 : vector<16xf32>
        %add3A_126 = arith.addf %scan3A_110, %get3A_125 : vector<16xf32>
        %scan3A_127 = arith.constant 1 : i32
        %scan3A_128 = arith.addi %scan3A_107, %scan3A_127 : i32
        %mul3A_129 = arith.constant 16 : i32
        %mul3A_130 = arith.muli %scan3A_128, %mul3A_129 : i32
        %swap3A_131 = arith.index_cast %mul3A_130 : i32 to index
        %swap3A_132 = tpu.vector_load %arg5[%swap3A_131] {strides = array<i32>} : memref<4096xf32, #tpu.memory_space<vmem>>, vector<16xf32>,
        tpu.vector_store %arg5[%swap3A_131], %broadcast_in_dim3A_3 {strides = array<i32>} : memref<4096xf32, #tpu.memory_space<vmem>>, vector<16xf32>,
        %mul3A_133 = arith.constant 16 : i32
        %mul3A_134 = arith.muli %scan3A_128, %mul3A_133 : i32
        %swap3A_135 = arith.index_cast %mul3A_134 : i32 to index
        %swap3A_136 = tpu.vector_load %arg6[%swap3A_135] {strides = array<i32>} : memref<4096xf32, #tpu.memory_space<vmem>>, vector<16xf32>,
        tpu.vector_store %arg6[%swap3A_135], %broadcast_in_dim3A_3 {strides = array<i32>} : memref<4096xf32, #tpu.memory_space<vmem>>, vector<16xf32>,
        %mul3A_137 = arith.constant 16 : i32
        %mul3A_138 = arith.muli %scan3A_128, %mul3A_137 : i32
        %swap3A_139 = arith.index_cast %mul3A_138 : i32 to index
        %swap3A_140 = tpu.vector_load %arg7[%swap3A_139] {strides = array<i32>} : memref<4096xf32, #tpu.memory_space<vmem>>, vector<16xf32>,
        tpu.vector_store %arg7[%swap3A_139], %broadcast_in_dim3A_3 {strides = array<i32>} : memref<4096xf32, #tpu.memory_space<vmem>>, vector<16xf32>,
        %mul3A_141 = arith.constant 16 : i32
        %mul3A_142 = arith.muli %scan3A_128, %mul3A_141 : i32
        %get3A_143 = arith.index_cast %mul3A_142 : i32 to index
        %get3A_144 = tpu.vector_load %arg4[%get3A_143] {strides = array<i32>} : memref<4096xf32, #tpu.memory_space<vmem>>, vector<16xf32>,
        %min3A_145 = arith.minimumf %min3A, %get3A_144 : vector<16xf32>
        %max3A_146 = arith.maximumf %max3A, %get3A_144 : vector<16xf32>
        %add3A_147 = arith.addf %add3A_126, %get3A_144 : vector<16xf32>
        %scan3A_148 = arith.constant 2 : i32
        %scan3A_149 = arith.addi %scan3A_107, %scan3A_148 : i32
        %mul3A_150 = arith.constant 16 : i32
        %mul3A_151 = arith.muli %scan3A_149, %mul3A_150 : i32
        %swap3A_152 = arith.index_cast %mul3A_151 : i32 to index
        %swap3A_153 = tpu.vector_load %arg5[%swap3A_152] {strides = array<i32>} : memref<4096xf32, #tpu.memory_space<vmem>>, vector<16xf32>,
        tpu.vector_store %arg5[%swap3A_152], %broadcast_in_dim3A_3 {strides = array<i32>} : memref<4096xf32, #tpu.memory_space<vmem>>, vector<16xf32>,
        %mul3A_154 = arith.constant 16 : i32
        %mul3A_155 = arith.muli %scan3A_149, %mul3A_154 : i32
        %swap3A_156 = arith.index_cast %mul3A_155 : i32 to index
        %swap3A_157 = tpu.vector_load %arg6[%swap3A_156] {strides = array<i32>} : memref<4096xf32, #tpu.memory_space<vmem>>, vector<16xf32>,
        tpu.vector_store %arg6[%swap3A_156], %broadcast_in_dim3A_3 {strides = array<i32>} : memref<4096xf32, #tpu.memory_space<vmem>>, vector<16xf32>,
        %mul3A_158 = arith.constant 16 : i32
        %mul3A_159 = arith.muli %scan3A_149, %mul3A_158 : i32
        %swap3A_160 = arith.index_cast %mul3A_159 : i32 to index
        %swap3A_161 = tpu.vector_load %arg7[%swap3A_160] {strides = array<i32>} : memref<4096xf32, #tpu.memory_space<vmem>>, vector<16xf32>,
        tpu.vector_store %arg7[%swap3A_160], %broadcast_in_dim3A_3 {strides = array<i32>} : memref<4096xf32, #tpu.memory_space<vmem>>, vector<16xf32>,
        %mul3A_162 = arith.constant 16 : i32
        %mul3A_163 = arith.muli %scan3A_149, %mul3A_162 : i32
        %get3A_164 = arith.index_cast %mul3A_163 : i32 to index
        %get3A_165 = tpu.vector_load %arg4[%get3A_164] {strides = array<i32>} : memref<4096xf32, #tpu.memory_space<vmem>>, vector<16xf32>,
        %min3A_166 = arith.minimumf %min3A_145, %get3A_165 : vector<16xf32>
        %max3A_167 = arith.maximumf %max3A_146, %get3A_165 : vector<16xf32>
        %add3A_168 = arith.addf %add3A_147, %get3A_165 : vector<16xf32>
        %scan3A_169 = arith.constant 3 : i32
        %scan3A_170 = arith.addi %scan3A_107, %scan3A_169 : i32
        %mul3A_171 = arith.constant 16 : i32
        %mul3A_172 = arith.muli %scan3A_170, %mul3A_171 : i32
        %swap3A_173 = arith.index_cast %mul3A_172 : i32 to index
        %swap3A_174 = tpu.vector_load %arg5[%swap3A_173] {strides = array<i32>} : memref<4096xf32, #tpu.memory_space<vmem>>, vector<16xf32>,
        tpu.vector_store %arg5[%swap3A_173], %broadcast_in_dim3A_3 {strides = array<i32>} : memref<4096xf32, #tpu.memory_space<vmem>>, vector<16xf32>,
        %mul3A_175 = arith.constant 16 : i32
        %mul3A_176 = arith.muli %scan3A_170, %mul3A_175 : i32
        %swap3A_177 = arith.index_cast %mul3A_176 : i32 to index
        %swap3A_178 = tpu.vector_load %arg6[%swap3A_177] {strides = array<i32>} : memref<4096xf32, #tpu.memory_space<vmem>>, vector<16xf32>,
        tpu.vector_store %arg6[%swap3A_177], %broadcast_in_dim3A_3 {strides = array<i32>} : memref<4096xf32, #tpu.memory_space<vmem>>, vector<16xf32>,
        %mul3A_179 = arith.constant 16 : i32
        %mul3A_180 = arith.muli %scan3A_170, %mul3A_179 : i32
        %swap3A_181 = arith.index_cast %mul3A_180 : i32 to index
        %swap3A_182 = tpu.vector_load %arg7[%swap3A_181] {strides = array<i32>} : memref<4096xf32, #tpu.memory_space<vmem>>, vector<16xf32>,
        tpu.vector_store %arg7[%swap3A_181], %broadcast_in_dim3A_3 {strides = array<i32>} : memref<4096xf32, #tpu.memory_space<vmem>>, vector<16xf32>,
        %mul3A_183 = arith.constant 16 : i32
        %mul3A_184 = arith.muli %scan3A_170, %mul3A_183 : i32
        %get3A_185 = arith.index_cast %mul3A_184 : i32 to index
        %get3A_186 = tpu.vector_load %arg4[%get3A_185] {strides = array<i32>} : memref<4096xf32, #tpu.memory_space<vmem>>, vector<16xf32>,
        %min3A_187 = arith.minimumf %min3A_166, %get3A_186 : vector<16xf32>
        %max3A_188 = arith.maximumf %max3A_167, %get3A_186 : vector<16xf32>
        %add3A_189 = arith.addf %add3A_168, %get3A_186 : vector<16xf32>
        %scan3A_190 = arith.constant 4 : i32
        %scan3A_191 = arith.addi %scan3A_107, %scan3A_190 : i32
        %mul3A_192 = arith.constant 16 : i32
        %mul3A_193 = arith.muli %scan3A_191, %mul3A_192 : i32
        %swap3A_194 = arith.index_cast %mul3A_193 : i32 to index
        %swap3A_195 = tpu.vector_load %arg5[%swap3A_194] {strides = array<i32>} : memref<4096xf32, #tpu.memory_space<vmem>>, vector<16xf32>,
        tpu.vector_store %arg5[%swap3A_194], %broadcast_in_dim3A_3 {strides = array<i32>} : memref<4096xf32, #tpu.memory_space<vmem>>, vector<16xf32>,
        %mul3A_196 = arith.constant 16 : i32
        %mul3A_197 = arith.muli %scan3A_191, %mul3A_196 : i32
        %swap3A_198 = arith.index_cast %mul3A_197 : i32 to index
        %swap3A_199 = tpu.vector_load %arg6[%swap3A_198] {strides = array<i32>} : memref<4096xf32, #tpu.memory_space<vmem>>, vector<16xf32>,
        tpu.vector_store %arg6[%swap3A_198], %broadcast_in_dim3A_3 {strides = array<i32>} : memref<4096xf32, #tpu.memory_space<vmem>>, vector<16xf32>,
        %mul3A_200 = arith.constant 16 : i32
        %mul3A_201 = arith.muli %scan3A_191, %mul3A_200 : i32
        %swap3A_202 = arith.index_cast %mul3A_201 : i32 to index
        %swap3A_203 = tpu.vector_load %arg7[%swap3A_202] {strides = array<i32>} : memref<4096xf32, #tpu.memory_space<vmem>>, vector<16xf32>,
        tpu.vector_store %arg7[%swap3A_202], %broadcast_in_dim3A_3 {strides = array<i32>} : memref<4096xf32, #tpu.memory_space<vmem>>, vector<16xf32>,
        %mul3A_204 = arith.constant 16 : i32
        %mul3A_205 = arith.muli %scan3A_191, %mul3A_204 : i32
        %get3A_206 = arith.index_cast %mul3A_205 : i32 to index
        %get3A_207 = tpu.vector_load %arg4[%get3A_206] {strides = array<i32>} : memref<4096xf32, #tpu.memory_space<vmem>>, vector<16xf32>,
        %min3A_208 = arith.minimumf %min3A_187, %get3A_207 : vector<16xf32>
        %max3A_209 = arith.maximumf %max3A_188, %get3A_207 : vector<16xf32>
        %add3A_210 = arith.addf %add3A_189, %get3A_207 : vector<16xf32>
        %scan3A_211 = arith.constant 5 : i32
        %scan3A_212 = arith.addi %scan3A_107, %scan3A_211 : i32
        %mul3A_213 = arith.constant 16 : i32
        %mul3A_214 = arith.muli %scan3A_212, %mul3A_213 : i32
        %swap3A_215 = arith.index_cast %mul3A_214 : i32 to index
        %swap3A_216 = tpu.vector_load %arg5[%swap3A_215] {strides = array<i32>} : memref<4096xf32, #tpu.memory_space<vmem>>, vector<16xf32>,
        tpu.vector_store %arg5[%swap3A_215], %broadcast_in_dim3A_3 {strides = array<i32>} : memref<4096xf32, #tpu.memory_space<vmem>>, vector<16xf32>,
        %mul3A_217 = arith.constant 16 : i32
        %mul3A_218 = arith.muli %scan3A_212, %mul3A_217 : i32
        %swap3A_219 = arith.index_cast %mul3A_218 : i32 to index
        %swap3A_220 = tpu.vector_load %arg6[%swap3A_219] {strides = array<i32>} : memref<4096xf32, #tpu.memory_space<vmem>>, vector<16xf32>,
        tpu.vector_store %arg6[%swap3A_219], %broadcast_in_dim3A_3 {strides = array<i32>} : memref<4096xf32, #tpu.memory_space<vmem>>, vector<16xf32>,
        %mul3A_221 = arith.constant 16 : i32
        %mul3A_222 = arith.muli %scan3A_212, %mul3A_221 : i32
        %swap3A_223 = arith.index_cast %mul3A_222 : i32 to index
        %swap3A_224 = tpu.vector_load %arg7[%swap3A_223] {strides = array<i32>} : memref<4096xf32, #tpu.memory_space<vmem>>, vector<16xf32>,
        tpu.vector_store %arg7[%swap3A_223], %broadcast_in_dim3A_3 {strides = array<i32>} : memref<4096xf32, #tpu.memory_space<vmem>>, vector<16xf32>,
        %mul3A_225 = arith.constant 16 : i32
        %mul3A_226 = arith.muli %scan3A_212, %mul3A_225 : i32
        %get3A_227 = arith.index_cast %mul3A_226 : i32 to index
        %get3A_228 = tpu.vector_load %arg4[%get3A_227] {strides = array<i32>} : memref<4096xf32, #tpu.memory_space<vmem>>, vector<16xf32>,
        %min3A_229 = arith.minimumf %min3A_208, %get3A_228 : vector<16xf32>
        %max3A_230 = arith.maximumf %max3A_209, %get3A_228 : vector<16xf32>
        %add3A_231 = arith.addf %add3A_210, %get3A_228 : vector<16xf32>
        %scan3A_232 = arith.constant 6 : i32
        %scan3A_233 = arith.addi %scan3A_107, %scan3A_232 : i32
        %mul3A_234 = arith.constant 16 : i32
        %mul3A_235 = arith.muli %scan3A_233, %mul3A_234 : i32
        %swap3A_236 = arith.index_cast %mul3A_235 : i32 to index
        %swap3A_237 = tpu.vector_load %arg5[%swap3A_236] {strides = array<i32>} : memref<4096xf32, #tpu.memory_space<vmem>>, vector<16xf32>,
        tpu.vector_store %arg5[%swap3A_236], %broadcast_in_dim3A_3 {strides = array<i32>} : memref<4096xf32, #tpu.memory_space<vmem>>, vector<16xf32>,
        %mul3A_238 = arith.constant 16 : i32
        %mul3A_239 = arith.muli %scan3A_233, %mul3A_238 : i32
        %swap3A_240 = arith.index_cast %mul3A_239 : i32 to index
        %swap3A_241 = tpu.vector_load %arg6[%swap3A_240] {strides = array<i32>} : memref<4096xf32, #tpu.memory_space<vmem>>, vector<16xf32>,
        tpu.vector_store %arg6[%swap3A_240], %broadcast_in_dim3A_3 {strides = array<i32>} : memref<4096xf32, #tpu.memory_space<vmem>>, vector<16xf32>,
        %mul3A_242 = arith.constant 16 : i32
        %mul3A_243 = arith.muli %scan3A_233, %mul3A_242 : i32
        %swap3A_244 = arith.index_cast %mul3A_243 : i32 to index
        %swap3A_245 = tpu.vector_load %arg7[%swap3A_244] {strides = array<i32>} : memref<4096xf32, #tpu.memory_space<vmem>>, vector<16xf32>,
        tpu.vector_store %arg7[%swap3A_244], %broadcast_in_dim3A_3 {strides = array<i32>} : memref<4096xf32, #tpu.memory_space<vmem>>, vector<16xf32>,
        %mul3A_246 = arith.constant 16 : i32
        %mul3A_247 = arith.muli %scan3A_233, %mul3A_246 : i32
        %get3A_248 = arith.index_cast %mul3A_247 : i32 to index
        %get3A_249 = tpu.vector_load %arg4[%get3A_248] {strides = array<i32>} : memref<4096xf32, #tpu.memory_space<vmem>>, vector<16xf32>,
        %min3A_250 = arith.minimumf %min3A_229, %get3A_249 : vector<16xf32>
        %max3A_251 = arith.maximumf %max3A_230, %get3A_249 : vector<16xf32>
        %add3A_252 = arith.addf %add3A_231, %get3A_249 : vector<16xf32>
        %scan3A_253 = arith.constant 7 : i32
        %scan3A_254 = arith.addi %scan3A_107, %scan3A_253 : i32
        %mul3A_255 = arith.constant 16 : i32
        %mul3A_256 = arith.muli %scan3A_254, %mul3A_255 : i32
        %swap3A_257 = arith.index_cast %mul3A_256 : i32 to index
        %swap3A_258 = tpu.vector_load %arg5[%swap3A_257] {strides = array<i32>} : memref<4096xf32, #tpu.memory_space<vmem>>, vector<16xf32>,
        tpu.vector_store %arg5[%swap3A_257], %broadcast_in_dim3A_3 {strides = array<i32>} : memref<4096xf32, #tpu.memory_space<vmem>>, vector<16xf32>,
        %mul3A_259 = arith.constant 16 : i32
        %mul3A_260 = arith.muli %scan3A_254, %mul3A_259 : i32
        %swap3A_261 = arith.index_cast %mul3A_260 : i32 to index
        %swap3A_262 = tpu.vector_load %arg6[%swap3A_261] {strides = array<i32>} : memref<4096xf32, #tpu.memory_space<vmem>>, vector<16xf32>,
        tpu.vector_store %arg6[%swap3A_261], %broadcast_in_dim3A_3 {strides = array<i32>} : memref<4096xf32, #tpu.memory_space<vmem>>, vector<16xf32>,
        %mul3A_263 = arith.constant 16 : i32
        %mul3A_264 = arith.muli %scan3A_254, %mul3A_263 : i32
        %swap3A_265 = arith.index_cast %mul3A_264 : i32 to index
        %swap3A_266 = tpu.vector_load %arg7[%swap3A_265] {strides = array<i32>} : memref<4096xf32, #tpu.memory_space<vmem>>, vector<16xf32>,
        tpu.vector_store %arg7[%swap3A_265], %broadcast_in_dim3A_3 {strides = array<i32>} : memref<4096xf32, #tpu.memory_space<vmem>>, vector<16xf32>,
        %mul3A_267 = arith.constant 16 : i32
        %mul3A_268 = arith.muli %scan3A_254, %mul3A_267 : i32
        %get3A_269 = arith.index_cast %mul3A_268 : i32 to index
        %get3A_270 = tpu.vector_load %arg4[%get3A_269] {strides = array<i32>} : memref<4096xf32, #tpu.memory_space<vmem>>, vector<16xf32>,
        %min3A_271 = arith.minimumf %min3A_250, %get3A_270 : vector<16xf32>
        %max3A_272 = arith.maximumf %max3A_251, %get3A_270 : vector<16xf32>
        %add3A_273 = arith.addf %add3A_252, %get3A_270 : vector<16xf32>
        scf.yield %min3A_271, %max3A_272, %add3A_273 : vector<16xf32>, vector<16xf32>, vector<16xf32>
      }
      %scan3A_14 = arith.constant 256 : i32
      %reduce_min3A = arith.constant true
      %reduce_min3A_15 = vector.broadcast %reduce_min3A : i1 to vector<16xi1>
      %reduce_min3A_16 = tpu.scan <min>, %scan3A_13#0 masked %reduce_min3A_15 : vector<16xf32>, vector<16xi1> -> vector<16xf32>
      %reduce_min3A_17 = vector.extract %reduce_min3A_16[15] : f32 from vector<16xf32>
      %broadcast_in_dim3A_18 = vector.broadcast %reduce_min3A_17 : f32 to vector<16xf32>
      %reduce_max3A = arith.constant true
      %reduce_max3A_19 = vector.broadcast %reduce_max3A : i1 to vector<16xi1>
      %reduce_max3A_20 = tpu.scan <max>, %scan3A_13#1 masked %reduce_max3A_19 : vector<16xf32>, vector<16xi1> -> vector<16xf32>
      %reduce_max3A_21 = vector.extract %reduce_max3A_20[15] : f32 from vector<16xf32>
      %broadcast_in_dim3A_22 = vector.broadcast %reduce_max3A_21 : f32 to vector<16xf32>
      %broadcast_in_dim3A_23 = arith.constant 4.096000e+03 : f32
      %broadcast_in_dim3A_24 = vector.broadcast %broadcast_in_dim3A_23 : f32 to vector<16xf32>
      %sub3A = arith.subf %broadcast_in_dim3A_22, %broadcast_in_dim3A_18 : vector<16xf32>
      %broadcast_in_dim3A_25 = arith.constant 9.99999968E-21 : f32
      %broadcast_in_dim3A_26 = vector.broadcast %broadcast_in_dim3A_25 : f32 to vector<16xf32>
      %add3A_27 = arith.addf %sub3A, %broadcast_in_dim3A_26 : vector<16xf32>
      %div3A = arith.divf %broadcast_in_dim3A_24, %add3A_27 : vector<16xf32>
      %broadcast_in_dim3A_28 = arith.constant 1.000000e+00 : f32
      %broadcast_in_dim3A_29 = vector.broadcast %broadcast_in_dim3A_28 : f32 to vector<16xf32>
      %broadcast_in_dim3A_30 = arith.constant 4095 : i32
      %broadcast_in_dim3A_31 = vector.broadcast %broadcast_in_dim3A_30 : i32 to vector<16xi32>
      %broadcast_in_dim3A_32 = arith.constant 4.096000e+03 : f32
      %broadcast_in_dim3A_33 = vector.broadcast %broadcast_in_dim3A_32 : f32 to vector<16xf32>
      %reduce_sum3A = arith.constant true
      %reduce_sum3A_34 = vector.broadcast %reduce_sum3A : i1 to vector<16xi1>
      %reduce_sum3A_35 = tpu.scan <sum>, %scan3A_13#2 masked %reduce_sum3A_34 : vector<16xf32>, vector<16xi1> -> vector<16xf32>
      %reduce_sum3A_36 = vector.extract %reduce_sum3A_35[15] : f32 from vector<16xf32>
      %broadcast_in_dim3A_37 = vector.broadcast %reduce_sum3A_36 : f32 to vector<16xf32>
      %div3A_38 = arith.divf %broadcast_in_dim3A_37, %broadcast_in_dim3A_33 : vector<16xf32>
      %broadcast_in_dim3A_39 = arith.constant 0.000000e+00 : f32
      %broadcast_in_dim3A_40 = vector.broadcast %broadcast_in_dim3A_39 : f32 to vector<16xf32>
      %scan3A_41 = arith.constant 0 : i32
      %scan3A_42 = arith.constant 256 : i32
      %scan3A_43 = arith.addi %scan3A_41, %scan3A_42 : i32
      %scan3A_44 = arith.constant 8 : i32
      %scan3A_45 = scf.for %scan3A_107 = %scan3A_41 to %scan3A_43 step %scan3A_44 iter_args(%scan3A_108 = %broadcast_in_dim3A_40) -> (vector<16xf32>)  : i32 {
        %mul3A_109 = arith.constant 16 : i32
        %mul3A_110 = arith.muli %scan3A_107, %mul3A_109 : i32
        %get3A = arith.index_cast %mul3A_110 : i32 to index
        %get3A_111 = tpu.vector_load %arg4[%get3A] {strides = array<i32>} : memref<4096xf32, #tpu.memory_space<vmem>>, vector<16xf32>,
        %sub3A_112 = arith.subf %get3A_111, %broadcast_in_dim3A_18 : vector<16xf32>
        %mul3A_113 = arith.mulf %sub3A_112, %div3A : vector<16xf32>
        %convert_element_type3A_114 = arith.fptosi %mul3A_113 : vector<16xf32> to vector<16xi32>
        %min3A = arith.minsi %convert_element_type3A_114, %broadcast_in_dim3A_31 : vector<16xi32>
        tpu.vector_store_idx %arg5[%min3A], %get3A_111 {add = true} : memref<4096xf32, #tpu.memory_space<vmem>>[vector<16xi32>], vector<16xf32>,
        tpu.vector_store_idx %arg6[%min3A], %broadcast_in_dim3A_29 {add = true} : memref<4096xf32, #tpu.memory_space<vmem>>[vector<16xi32>], vector<16xf32>,
        %sub3A_115 = arith.subf %get3A_111, %div3A_38 : vector<16xf32>
        %mul3A_116 = arith.mulf %sub3A_115, %sub3A_115 : vector<16xf32>
        %add3A_117 = arith.addf %scan3A_108, %mul3A_116 : vector<16xf32>
        %scan3A_118 = arith.constant 1 : i32
        %scan3A_119 = arith.addi %scan3A_107, %scan3A_118 : i32
        %mul3A_120 = arith.constant 16 : i32
        %mul3A_121 = arith.muli %scan3A_119, %mul3A_120 : i32
        %get3A_122 = arith.index_cast %mul3A_121 : i32 to index
        %get3A_123 = tpu.vector_load %arg4[%get3A_122] {strides = array<i32>} : memref<4096xf32, #tpu.memory_space<vmem>>, vector<16xf32>,
        %sub3A_124 = arith.subf %get3A_123, %broadcast_in_dim3A_18 : vector<16xf32>
        %mul3A_125 = arith.mulf %sub3A_124, %div3A : vector<16xf32>
        %convert_element_type3A_126 = arith.fptosi %mul3A_125 : vector<16xf32> to vector<16xi32>
        %min3A_127 = arith.minsi %convert_element_type3A_126, %broadcast_in_dim3A_31 : vector<16xi32>
        tpu.vector_store_idx %arg5[%min3A_127], %get3A_123 {add = true} : memref<4096xf32, #tpu.memory_space<vmem>>[vector<16xi32>], vector<16xf32>,
        tpu.vector_store_idx %arg6[%min3A_127], %broadcast_in_dim3A_29 {add = true} : memref<4096xf32, #tpu.memory_space<vmem>>[vector<16xi32>], vector<16xf32>,
        %sub3A_128 = arith.subf %get3A_123, %div3A_38 : vector<16xf32>
        %mul3A_129 = arith.mulf %sub3A_128, %sub3A_128 : vector<16xf32>
        %add3A_130 = arith.addf %add3A_117, %mul3A_129 : vector<16xf32>
        %scan3A_131 = arith.constant 2 : i32
        %scan3A_132 = arith.addi %scan3A_107, %scan3A_131 : i32
        %mul3A_133 = arith.constant 16 : i32
        %mul3A_134 = arith.muli %scan3A_132, %mul3A_133 : i32
        %get3A_135 = arith.index_cast %mul3A_134 : i32 to index
        %get3A_136 = tpu.vector_load %arg4[%get3A_135] {strides = array<i32>} : memref<4096xf32, #tpu.memory_space<vmem>>, vector<16xf32>,
        %sub3A_137 = arith.subf %get3A_136, %broadcast_in_dim3A_18 : vector<16xf32>
        %mul3A_138 = arith.mulf %sub3A_137, %div3A : vector<16xf32>
        %convert_element_type3A_139 = arith.fptosi %mul3A_138 : vector<16xf32> to vector<16xi32>
        %min3A_140 = arith.minsi %convert_element_type3A_139, %broadcast_in_dim3A_31 : vector<16xi32>
        tpu.vector_store_idx %arg5[%min3A_140], %get3A_136 {add = true} : memref<4096xf32, #tpu.memory_space<vmem>>[vector<16xi32>], vector<16xf32>,
        tpu.vector_store_idx %arg6[%min3A_140], %broadcast_in_dim3A_29 {add = true} : memref<4096xf32, #tpu.memory_space<vmem>>[vector<16xi32>], vector<16xf32>,
        %sub3A_141 = arith.subf %get3A_136, %div3A_38 : vector<16xf32>
        %mul3A_142 = arith.mulf %sub3A_141, %sub3A_141 : vector<16xf32>
        %add3A_143 = arith.addf %add3A_130, %mul3A_142 : vector<16xf32>
        %scan3A_144 = arith.constant 3 : i32
        %scan3A_145 = arith.addi %scan3A_107, %scan3A_144 : i32
        %mul3A_146 = arith.constant 16 : i32
        %mul3A_147 = arith.muli %scan3A_145, %mul3A_146 : i32
        %get3A_148 = arith.index_cast %mul3A_147 : i32 to index
        %get3A_149 = tpu.vector_load %arg4[%get3A_148] {strides = array<i32>} : memref<4096xf32, #tpu.memory_space<vmem>>, vector<16xf32>,
        %sub3A_150 = arith.subf %get3A_149, %broadcast_in_dim3A_18 : vector<16xf32>
        %mul3A_151 = arith.mulf %sub3A_150, %div3A : vector<16xf32>
        %convert_element_type3A_152 = arith.fptosi %mul3A_151 : vector<16xf32> to vector<16xi32>
        %min3A_153 = arith.minsi %convert_element_type3A_152, %broadcast_in_dim3A_31 : vector<16xi32>
        tpu.vector_store_idx %arg5[%min3A_153], %get3A_149 {add = true} : memref<4096xf32, #tpu.memory_space<vmem>>[vector<16xi32>], vector<16xf32>,
        tpu.vector_store_idx %arg6[%min3A_153], %broadcast_in_dim3A_29 {add = true} : memref<4096xf32, #tpu.memory_space<vmem>>[vector<16xi32>], vector<16xf32>,
        %sub3A_154 = arith.subf %get3A_149, %div3A_38 : vector<16xf32>
        %mul3A_155 = arith.mulf %sub3A_154, %sub3A_154 : vector<16xf32>
        %add3A_156 = arith.addf %add3A_143, %mul3A_155 : vector<16xf32>
        %scan3A_157 = arith.constant 4 : i32
        %scan3A_158 = arith.addi %scan3A_107, %scan3A_157 : i32
        %mul3A_159 = arith.constant 16 : i32
        %mul3A_160 = arith.muli %scan3A_158, %mul3A_159 : i32
        %get3A_161 = arith.index_cast %mul3A_160 : i32 to index
        %get3A_162 = tpu.vector_load %arg4[%get3A_161] {strides = array<i32>} : memref<4096xf32, #tpu.memory_space<vmem>>, vector<16xf32>,
        %sub3A_163 = arith.subf %get3A_162, %broadcast_in_dim3A_18 : vector<16xf32>
        %mul3A_164 = arith.mulf %sub3A_163, %div3A : vector<16xf32>
        %convert_element_type3A_165 = arith.fptosi %mul3A_164 : vector<16xf32> to vector<16xi32>
        %min3A_166 = arith.minsi %convert_element_type3A_165, %broadcast_in_dim3A_31 : vector<16xi32>
        tpu.vector_store_idx %arg5[%min3A_166], %get3A_162 {add = true} : memref<4096xf32, #tpu.memory_space<vmem>>[vector<16xi32>], vector<16xf32>,
        tpu.vector_store_idx %arg6[%min3A_166], %broadcast_in_dim3A_29 {add = true} : memref<4096xf32, #tpu.memory_space<vmem>>[vector<16xi32>], vector<16xf32>,
        %sub3A_167 = arith.subf %get3A_162, %div3A_38 : vector<16xf32>
        %mul3A_168 = arith.mulf %sub3A_167, %sub3A_167 : vector<16xf32>
        %add3A_169 = arith.addf %add3A_156, %mul3A_168 : vector<16xf32>
        %scan3A_170 = arith.constant 5 : i32
        %scan3A_171 = arith.addi %scan3A_107, %scan3A_170 : i32
        %mul3A_172 = arith.constant 16 : i32
        %mul3A_173 = arith.muli %scan3A_171, %mul3A_172 : i32
        %get3A_174 = arith.index_cast %mul3A_173 : i32 to index
        %get3A_175 = tpu.vector_load %arg4[%get3A_174] {strides = array<i32>} : memref<4096xf32, #tpu.memory_space<vmem>>, vector<16xf32>,
        %sub3A_176 = arith.subf %get3A_175, %broadcast_in_dim3A_18 : vector<16xf32>
        %mul3A_177 = arith.mulf %sub3A_176, %div3A : vector<16xf32>
        %convert_element_type3A_178 = arith.fptosi %mul3A_177 : vector<16xf32> to vector<16xi32>
        %min3A_179 = arith.minsi %convert_element_type3A_178, %broadcast_in_dim3A_31 : vector<16xi32>
        tpu.vector_store_idx %arg5[%min3A_179], %get3A_175 {add = true} : memref<4096xf32, #tpu.memory_space<vmem>>[vector<16xi32>], vector<16xf32>,
        tpu.vector_store_idx %arg6[%min3A_179], %broadcast_in_dim3A_29 {add = true} : memref<4096xf32, #tpu.memory_space<vmem>>[vector<16xi32>], vector<16xf32>,
        %sub3A_180 = arith.subf %get3A_175, %div3A_38 : vector<16xf32>
        %mul3A_181 = arith.mulf %sub3A_180, %sub3A_180 : vector<16xf32>
        %add3A_182 = arith.addf %add3A_169, %mul3A_181 : vector<16xf32>
        %scan3A_183 = arith.constant 6 : i32
        %scan3A_184 = arith.addi %scan3A_107, %scan3A_183 : i32
        %mul3A_185 = arith.constant 16 : i32
        %mul3A_186 = arith.muli %scan3A_184, %mul3A_185 : i32
        %get3A_187 = arith.index_cast %mul3A_186 : i32 to index
        %get3A_188 = tpu.vector_load %arg4[%get3A_187] {strides = array<i32>} : memref<4096xf32, #tpu.memory_space<vmem>>, vector<16xf32>,
        %sub3A_189 = arith.subf %get3A_188, %broadcast_in_dim3A_18 : vector<16xf32>
        %mul3A_190 = arith.mulf %sub3A_189, %div3A : vector<16xf32>
        %convert_element_type3A_191 = arith.fptosi %mul3A_190 : vector<16xf32> to vector<16xi32>
        %min3A_192 = arith.minsi %convert_element_type3A_191, %broadcast_in_dim3A_31 : vector<16xi32>
        tpu.vector_store_idx %arg5[%min3A_192], %get3A_188 {add = true} : memref<4096xf32, #tpu.memory_space<vmem>>[vector<16xi32>], vector<16xf32>,
        tpu.vector_store_idx %arg6[%min3A_192], %broadcast_in_dim3A_29 {add = true} : memref<4096xf32, #tpu.memory_space<vmem>>[vector<16xi32>], vector<16xf32>,
        %sub3A_193 = arith.subf %get3A_188, %div3A_38 : vector<16xf32>
        %mul3A_194 = arith.mulf %sub3A_193, %sub3A_193 : vector<16xf32>
        %add3A_195 = arith.addf %add3A_182, %mul3A_194 : vector<16xf32>
        %scan3A_196 = arith.constant 7 : i32
        %scan3A_197 = arith.addi %scan3A_107, %scan3A_196 : i32
        %mul3A_198 = arith.constant 16 : i32
        %mul3A_199 = arith.muli %scan3A_197, %mul3A_198 : i32
        %get3A_200 = arith.index_cast %mul3A_199 : i32 to index
        %get3A_201 = tpu.vector_load %arg4[%get3A_200] {strides = array<i32>} : memref<4096xf32, #tpu.memory_space<vmem>>, vector<16xf32>,
        %sub3A_202 = arith.subf %get3A_201, %broadcast_in_dim3A_18 : vector<16xf32>
        %mul3A_203 = arith.mulf %sub3A_202, %div3A : vector<16xf32>
        %convert_element_type3A_204 = arith.fptosi %mul3A_203 : vector<16xf32> to vector<16xi32>
        %min3A_205 = arith.minsi %convert_element_type3A_204, %broadcast_in_dim3A_31 : vector<16xi32>
        tpu.vector_store_idx %arg5[%min3A_205], %get3A_201 {add = true} : memref<4096xf32, #tpu.memory_space<vmem>>[vector<16xi32>], vector<16xf32>,
        tpu.vector_store_idx %arg6[%min3A_205], %broadcast_in_dim3A_29 {add = true} : memref<4096xf32, #tpu.memory_space<vmem>>[vector<16xi32>], vector<16xf32>,
        %sub3A_206 = arith.subf %get3A_201, %div3A_38 : vector<16xf32>
        %mul3A_207 = arith.mulf %sub3A_206, %sub3A_206 : vector<16xf32>
        %add3A_208 = arith.addf %add3A_195, %mul3A_207 : vector<16xf32>
        scf.yield %add3A_208 : vector<16xf32>
      }
      %scan3A_46 = arith.constant 256 : i32
      %reduce_sum3A_47 = arith.constant true
      %reduce_sum3A_48 = vector.broadcast %reduce_sum3A_47 : i1 to vector<16xi1>
      %reduce_sum3A_49 = tpu.scan <sum>, %scan3A_45 masked %reduce_sum3A_48 : vector<16xf32>, vector<16xi1> -> vector<16xf32>
      %reduce_sum3A_50 = vector.extract %reduce_sum3A_49[15] : f32 from vector<16xf32>
      %scan3A_51 = arith.constant 0.000000e+00 : f32
      %scan3A_52 = arith.constant 0 : i32
      %scan3A_53 = arith.constant 256 : i32
      %scan3A_54 = arith.addi %scan3A_52, %scan3A_53 : i32
      %scan3A_55 = arith.constant 8 : i32
      %scan3A_56 = scf.for %scan3A_107 = %scan3A_52 to %scan3A_54 step %scan3A_55 iter_args(%scan3A_108 = %scan3A_51) -> (f32)  : i32 {
        %mul3A_109 = arith.constant 16 : i32
        %mul3A_110 = arith.muli %scan3A_107, %mul3A_109 : i32
        %get3A = arith.index_cast %mul3A_110 : i32 to index
        %get3A_111 = tpu.vector_load %arg6[%get3A] {strides = array<i32>} : memref<4096xf32, #tpu.memory_space<vmem>>, vector<16xf32>,
        %broadcast_in_dim3A_112 = arith.constant true
        %broadcast_in_dim3A_113 = vector.broadcast %broadcast_in_dim3A_112 : i1 to vector<16xi1>
        %masked_cumsum3A = tpu.scan <sum>, %get3A_111 masked %broadcast_in_dim3A_113 : vector<16xf32>, vector<16xi1> -> vector<16xf32>
        %broadcast_in_dim3A_114 = vector.broadcast %scan3A_108 : f32 to vector<16xf32>
        %add3A_115 = arith.addf %masked_cumsum3A, %broadcast_in_dim3A_114 : vector<16xf32>
        %sub3A_116 = arith.subf %add3A_115, %get3A_111 : vector<16xf32>
        %convert_element_type3A_117 = arith.fptosi %sub3A_116 : vector<16xf32> to vector<16xi32>
        %mul3A_118 = arith.constant 16 : i32
        %mul3A_119 = arith.muli %scan3A_107, %mul3A_118 : i32
        %get3A_120 = arith.index_cast %mul3A_119 : i32 to index
        %get3A_121 = tpu.vector_load %arg5[%get3A_120] {strides = array<i32>} : memref<4096xf32, #tpu.memory_space<vmem>>, vector<16xf32>,
        %max3A = arith.constant 1.000000e+00 : f32
        %max3A_122 = vector.broadcast %max3A : f32 to vector<16xf32>
        %max3A_123 = arith.maximumf %get3A_111, %max3A_122 : vector<16xf32>
        %div3A_124 = arith.divf %get3A_121, %max3A_123 : vector<16xf32>
        %gt3A = arith.constant 5.000000e-01 : f32
        %gt3A_125 = vector.broadcast %gt3A : f32 to vector<16xf32>
        %gt3A_126 = arith.cmpf ogt, %get3A_111, %gt3A_125 : vector<16xf32>
        tpu.vector_store_idx %arg7[%convert_element_type3A_117], %div3A_124 masked %gt3A_126 : memref<4096xf32, #tpu.memory_space<vmem>>[vector<16xi32>], vector<16xf32>, vector<16xi1>
        %reduce_sum3A_127 = arith.constant true
        %reduce_sum3A_128 = vector.broadcast %reduce_sum3A_127 : i1 to vector<16xi1>
        %reduce_sum3A_129 = tpu.scan <sum>, %get3A_111 masked %reduce_sum3A_128 : vector<16xf32>, vector<16xi1> -> vector<16xf32>
        %reduce_sum3A_130 = vector.extract %reduce_sum3A_129[15] : f32 from vector<16xf32>
        %add3A_131 = arith.addf %scan3A_108, %reduce_sum3A_130 : f32
        %scan3A_132 = arith.constant 1 : i32
        %scan3A_133 = arith.addi %scan3A_107, %scan3A_132 : i32
        %mul3A_134 = arith.constant 16 : i32
        %mul3A_135 = arith.muli %scan3A_133, %mul3A_134 : i32
        %get3A_136 = arith.index_cast %mul3A_135 : i32 to index
        %get3A_137 = tpu.vector_load %arg6[%get3A_136] {strides = array<i32>} : memref<4096xf32, #tpu.memory_space<vmem>>, vector<16xf32>,
        %broadcast_in_dim3A_138 = arith.constant true
        %broadcast_in_dim3A_139 = vector.broadcast %broadcast_in_dim3A_138 : i1 to vector<16xi1>
        %masked_cumsum3A_140 = tpu.scan <sum>, %get3A_137 masked %broadcast_in_dim3A_139 : vector<16xf32>, vector<16xi1> -> vector<16xf32>
        %broadcast_in_dim3A_141 = vector.broadcast %add3A_131 : f32 to vector<16xf32>
        %add3A_142 = arith.addf %masked_cumsum3A_140, %broadcast_in_dim3A_141 : vector<16xf32>
        %sub3A_143 = arith.subf %add3A_142, %get3A_137 : vector<16xf32>
        %convert_element_type3A_144 = arith.fptosi %sub3A_143 : vector<16xf32> to vector<16xi32>
        %mul3A_145 = arith.constant 16 : i32
        %mul3A_146 = arith.muli %scan3A_133, %mul3A_145 : i32
        %get3A_147 = arith.index_cast %mul3A_146 : i32 to index
        %get3A_148 = tpu.vector_load %arg5[%get3A_147] {strides = array<i32>} : memref<4096xf32, #tpu.memory_space<vmem>>, vector<16xf32>,
        %max3A_149 = arith.constant 1.000000e+00 : f32
        %max3A_150 = vector.broadcast %max3A_149 : f32 to vector<16xf32>
        %max3A_151 = arith.maximumf %get3A_137, %max3A_150 : vector<16xf32>
        %div3A_152 = arith.divf %get3A_148, %max3A_151 : vector<16xf32>
        %gt3A_153 = arith.constant 5.000000e-01 : f32
        %gt3A_154 = vector.broadcast %gt3A_153 : f32 to vector<16xf32>
        %gt3A_155 = arith.cmpf ogt, %get3A_137, %gt3A_154 : vector<16xf32>
        tpu.vector_store_idx %arg7[%convert_element_type3A_144], %div3A_152 masked %gt3A_155 : memref<4096xf32, #tpu.memory_space<vmem>>[vector<16xi32>], vector<16xf32>, vector<16xi1>
        %reduce_sum3A_156 = arith.constant true
        %reduce_sum3A_157 = vector.broadcast %reduce_sum3A_156 : i1 to vector<16xi1>
        %reduce_sum3A_158 = tpu.scan <sum>, %get3A_137 masked %reduce_sum3A_157 : vector<16xf32>, vector<16xi1> -> vector<16xf32>
        %reduce_sum3A_159 = vector.extract %reduce_sum3A_158[15] : f32 from vector<16xf32>
        %add3A_160 = arith.addf %add3A_131, %reduce_sum3A_159 : f32
        %scan3A_161 = arith.constant 2 : i32
        %scan3A_162 = arith.addi %scan3A_107, %scan3A_161 : i32
        %mul3A_163 = arith.constant 16 : i32
        %mul3A_164 = arith.muli %scan3A_162, %mul3A_163 : i32
        %get3A_165 = arith.index_cast %mul3A_164 : i32 to index
        %get3A_166 = tpu.vector_load %arg6[%get3A_165] {strides = array<i32>} : memref<4096xf32, #tpu.memory_space<vmem>>, vector<16xf32>,
        %broadcast_in_dim3A_167 = arith.constant true
        %broadcast_in_dim3A_168 = vector.broadcast %broadcast_in_dim3A_167 : i1 to vector<16xi1>
        %masked_cumsum3A_169 = tpu.scan <sum>, %get3A_166 masked %broadcast_in_dim3A_168 : vector<16xf32>, vector<16xi1> -> vector<16xf32>
        %broadcast_in_dim3A_170 = vector.broadcast %add3A_160 : f32 to vector<16xf32>
        %add3A_171 = arith.addf %masked_cumsum3A_169, %broadcast_in_dim3A_170 : vector<16xf32>
        %sub3A_172 = arith.subf %add3A_171, %get3A_166 : vector<16xf32>
        %convert_element_type3A_173 = arith.fptosi %sub3A_172 : vector<16xf32> to vector<16xi32>
        %mul3A_174 = arith.constant 16 : i32
        %mul3A_175 = arith.muli %scan3A_162, %mul3A_174 : i32
        %get3A_176 = arith.index_cast %mul3A_175 : i32 to index
        %get3A_177 = tpu.vector_load %arg5[%get3A_176] {strides = array<i32>} : memref<4096xf32, #tpu.memory_space<vmem>>, vector<16xf32>,
        %max3A_178 = arith.constant 1.000000e+00 : f32
        %max3A_179 = vector.broadcast %max3A_178 : f32 to vector<16xf32>
        %max3A_180 = arith.maximumf %get3A_166, %max3A_179 : vector<16xf32>
        %div3A_181 = arith.divf %get3A_177, %max3A_180 : vector<16xf32>
        %gt3A_182 = arith.constant 5.000000e-01 : f32
        %gt3A_183 = vector.broadcast %gt3A_182 : f32 to vector<16xf32>
        %gt3A_184 = arith.cmpf ogt, %get3A_166, %gt3A_183 : vector<16xf32>
        tpu.vector_store_idx %arg7[%convert_element_type3A_173], %div3A_181 masked %gt3A_184 : memref<4096xf32, #tpu.memory_space<vmem>>[vector<16xi32>], vector<16xf32>, vector<16xi1>
        %reduce_sum3A_185 = arith.constant true
        %reduce_sum3A_186 = vector.broadcast %reduce_sum3A_185 : i1 to vector<16xi1>
        %reduce_sum3A_187 = tpu.scan <sum>, %get3A_166 masked %reduce_sum3A_186 : vector<16xf32>, vector<16xi1> -> vector<16xf32>
        %reduce_sum3A_188 = vector.extract %reduce_sum3A_187[15] : f32 from vector<16xf32>
        %add3A_189 = arith.addf %add3A_160, %reduce_sum3A_188 : f32
        %scan3A_190 = arith.constant 3 : i32
        %scan3A_191 = arith.addi %scan3A_107, %scan3A_190 : i32
        %mul3A_192 = arith.constant 16 : i32
        %mul3A_193 = arith.muli %scan3A_191, %mul3A_192 : i32
        %get3A_194 = arith.index_cast %mul3A_193 : i32 to index
        %get3A_195 = tpu.vector_load %arg6[%get3A_194] {strides = array<i32>} : memref<4096xf32, #tpu.memory_space<vmem>>, vector<16xf32>,
        %broadcast_in_dim3A_196 = arith.constant true
        %broadcast_in_dim3A_197 = vector.broadcast %broadcast_in_dim3A_196 : i1 to vector<16xi1>
        %masked_cumsum3A_198 = tpu.scan <sum>, %get3A_195 masked %broadcast_in_dim3A_197 : vector<16xf32>, vector<16xi1> -> vector<16xf32>
        %broadcast_in_dim3A_199 = vector.broadcast %add3A_189 : f32 to vector<16xf32>
        %add3A_200 = arith.addf %masked_cumsum3A_198, %broadcast_in_dim3A_199 : vector<16xf32>
        %sub3A_201 = arith.subf %add3A_200, %get3A_195 : vector<16xf32>
        %convert_element_type3A_202 = arith.fptosi %sub3A_201 : vector<16xf32> to vector<16xi32>
        %mul3A_203 = arith.constant 16 : i32
        %mul3A_204 = arith.muli %scan3A_191, %mul3A_203 : i32
        %get3A_205 = arith.index_cast %mul3A_204 : i32 to index
        %get3A_206 = tpu.vector_load %arg5[%get3A_205] {strides = array<i32>} : memref<4096xf32, #tpu.memory_space<vmem>>, vector<16xf32>,
        %max3A_207 = arith.constant 1.000000e+00 : f32
        %max3A_208 = vector.broadcast %max3A_207 : f32 to vector<16xf32>
        %max3A_209 = arith.maximumf %get3A_195, %max3A_208 : vector<16xf32>
        %div3A_210 = arith.divf %get3A_206, %max3A_209 : vector<16xf32>
        %gt3A_211 = arith.constant 5.000000e-01 : f32
        %gt3A_212 = vector.broadcast %gt3A_211 : f32 to vector<16xf32>
        %gt3A_213 = arith.cmpf ogt, %get3A_195, %gt3A_212 : vector<16xf32>
        tpu.vector_store_idx %arg7[%convert_element_type3A_202], %div3A_210 masked %gt3A_213 : memref<4096xf32, #tpu.memory_space<vmem>>[vector<16xi32>], vector<16xf32>, vector<16xi1>
        %reduce_sum3A_214 = arith.constant true
        %reduce_sum3A_215 = vector.broadcast %reduce_sum3A_214 : i1 to vector<16xi1>
        %reduce_sum3A_216 = tpu.scan <sum>, %get3A_195 masked %reduce_sum3A_215 : vector<16xf32>, vector<16xi1> -> vector<16xf32>
        %reduce_sum3A_217 = vector.extract %reduce_sum3A_216[15] : f32 from vector<16xf32>
        %add3A_218 = arith.addf %add3A_189, %reduce_sum3A_217 : f32
        %scan3A_219 = arith.constant 4 : i32
        %scan3A_220 = arith.addi %scan3A_107, %scan3A_219 : i32
        %mul3A_221 = arith.constant 16 : i32
        %mul3A_222 = arith.muli %scan3A_220, %mul3A_221 : i32
        %get3A_223 = arith.index_cast %mul3A_222 : i32 to index
        %get3A_224 = tpu.vector_load %arg6[%get3A_223] {strides = array<i32>} : memref<4096xf32, #tpu.memory_space<vmem>>, vector<16xf32>,
        %broadcast_in_dim3A_225 = arith.constant true
        %broadcast_in_dim3A_226 = vector.broadcast %broadcast_in_dim3A_225 : i1 to vector<16xi1>
        %masked_cumsum3A_227 = tpu.scan <sum>, %get3A_224 masked %broadcast_in_dim3A_226 : vector<16xf32>, vector<16xi1> -> vector<16xf32>
        %broadcast_in_dim3A_228 = vector.broadcast %add3A_218 : f32 to vector<16xf32>
        %add3A_229 = arith.addf %masked_cumsum3A_227, %broadcast_in_dim3A_228 : vector<16xf32>
        %sub3A_230 = arith.subf %add3A_229, %get3A_224 : vector<16xf32>
        %convert_element_type3A_231 = arith.fptosi %sub3A_230 : vector<16xf32> to vector<16xi32>
        %mul3A_232 = arith.constant 16 : i32
        %mul3A_233 = arith.muli %scan3A_220, %mul3A_232 : i32
        %get3A_234 = arith.index_cast %mul3A_233 : i32 to index
        %get3A_235 = tpu.vector_load %arg5[%get3A_234] {strides = array<i32>} : memref<4096xf32, #tpu.memory_space<vmem>>, vector<16xf32>,
        %max3A_236 = arith.constant 1.000000e+00 : f32
        %max3A_237 = vector.broadcast %max3A_236 : f32 to vector<16xf32>
        %max3A_238 = arith.maximumf %get3A_224, %max3A_237 : vector<16xf32>
        %div3A_239 = arith.divf %get3A_235, %max3A_238 : vector<16xf32>
        %gt3A_240 = arith.constant 5.000000e-01 : f32
        %gt3A_241 = vector.broadcast %gt3A_240 : f32 to vector<16xf32>
        %gt3A_242 = arith.cmpf ogt, %get3A_224, %gt3A_241 : vector<16xf32>
        tpu.vector_store_idx %arg7[%convert_element_type3A_231], %div3A_239 masked %gt3A_242 : memref<4096xf32, #tpu.memory_space<vmem>>[vector<16xi32>], vector<16xf32>, vector<16xi1>
        %reduce_sum3A_243 = arith.constant true
        %reduce_sum3A_244 = vector.broadcast %reduce_sum3A_243 : i1 to vector<16xi1>
        %reduce_sum3A_245 = tpu.scan <sum>, %get3A_224 masked %reduce_sum3A_244 : vector<16xf32>, vector<16xi1> -> vector<16xf32>
        %reduce_sum3A_246 = vector.extract %reduce_sum3A_245[15] : f32 from vector<16xf32>
        %add3A_247 = arith.addf %add3A_218, %reduce_sum3A_246 : f32
        %scan3A_248 = arith.constant 5 : i32
        %scan3A_249 = arith.addi %scan3A_107, %scan3A_248 : i32
        %mul3A_250 = arith.constant 16 : i32
        %mul3A_251 = arith.muli %scan3A_249, %mul3A_250 : i32
        %get3A_252 = arith.index_cast %mul3A_251 : i32 to index
        %get3A_253 = tpu.vector_load %arg6[%get3A_252] {strides = array<i32>} : memref<4096xf32, #tpu.memory_space<vmem>>, vector<16xf32>,
        %broadcast_in_dim3A_254 = arith.constant true
        %broadcast_in_dim3A_255 = vector.broadcast %broadcast_in_dim3A_254 : i1 to vector<16xi1>
        %masked_cumsum3A_256 = tpu.scan <sum>, %get3A_253 masked %broadcast_in_dim3A_255 : vector<16xf32>, vector<16xi1> -> vector<16xf32>
        %broadcast_in_dim3A_257 = vector.broadcast %add3A_247 : f32 to vector<16xf32>
        %add3A_258 = arith.addf %masked_cumsum3A_256, %broadcast_in_dim3A_257 : vector<16xf32>
        %sub3A_259 = arith.subf %add3A_258, %get3A_253 : vector<16xf32>
        %convert_element_type3A_260 = arith.fptosi %sub3A_259 : vector<16xf32> to vector<16xi32>
        %mul3A_261 = arith.constant 16 : i32
        %mul3A_262 = arith.muli %scan3A_249, %mul3A_261 : i32
        %get3A_263 = arith.index_cast %mul3A_262 : i32 to index
        %get3A_264 = tpu.vector_load %arg5[%get3A_263] {strides = array<i32>} : memref<4096xf32, #tpu.memory_space<vmem>>, vector<16xf32>,
        %max3A_265 = arith.constant 1.000000e+00 : f32
        %max3A_266 = vector.broadcast %max3A_265 : f32 to vector<16xf32>
        %max3A_267 = arith.maximumf %get3A_253, %max3A_266 : vector<16xf32>
        %div3A_268 = arith.divf %get3A_264, %max3A_267 : vector<16xf32>
        %gt3A_269 = arith.constant 5.000000e-01 : f32
        %gt3A_270 = vector.broadcast %gt3A_269 : f32 to vector<16xf32>
        %gt3A_271 = arith.cmpf ogt, %get3A_253, %gt3A_270 : vector<16xf32>
        tpu.vector_store_idx %arg7[%convert_element_type3A_260], %div3A_268 masked %gt3A_271 : memref<4096xf32, #tpu.memory_space<vmem>>[vector<16xi32>], vector<16xf32>, vector<16xi1>
        %reduce_sum3A_272 = arith.constant true
        %reduce_sum3A_273 = vector.broadcast %reduce_sum3A_272 : i1 to vector<16xi1>
        %reduce_sum3A_274 = tpu.scan <sum>, %get3A_253 masked %reduce_sum3A_273 : vector<16xf32>, vector<16xi1> -> vector<16xf32>
        %reduce_sum3A_275 = vector.extract %reduce_sum3A_274[15] : f32 from vector<16xf32>
        %add3A_276 = arith.addf %add3A_247, %reduce_sum3A_275 : f32
        %scan3A_277 = arith.constant 6 : i32
        %scan3A_278 = arith.addi %scan3A_107, %scan3A_277 : i32
        %mul3A_279 = arith.constant 16 : i32
        %mul3A_280 = arith.muli %scan3A_278, %mul3A_279 : i32
        %get3A_281 = arith.index_cast %mul3A_280 : i32 to index
        %get3A_282 = tpu.vector_load %arg6[%get3A_281] {strides = array<i32>} : memref<4096xf32, #tpu.memory_space<vmem>>, vector<16xf32>,
        %broadcast_in_dim3A_283 = arith.constant true
        %broadcast_in_dim3A_284 = vector.broadcast %broadcast_in_dim3A_283 : i1 to vector<16xi1>
        %masked_cumsum3A_285 = tpu.scan <sum>, %get3A_282 masked %broadcast_in_dim3A_284 : vector<16xf32>, vector<16xi1> -> vector<16xf32>
        %broadcast_in_dim3A_286 = vector.broadcast %add3A_276 : f32 to vector<16xf32>
        %add3A_287 = arith.addf %masked_cumsum3A_285, %broadcast_in_dim3A_286 : vector<16xf32>
        %sub3A_288 = arith.subf %add3A_287, %get3A_282 : vector<16xf32>
        %convert_element_type3A_289 = arith.fptosi %sub3A_288 : vector<16xf32> to vector<16xi32>
        %mul3A_290 = arith.constant 16 : i32
        %mul3A_291 = arith.muli %scan3A_278, %mul3A_290 : i32
        %get3A_292 = arith.index_cast %mul3A_291 : i32 to index
        %get3A_293 = tpu.vector_load %arg5[%get3A_292] {strides = array<i32>} : memref<4096xf32, #tpu.memory_space<vmem>>, vector<16xf32>,
        %max3A_294 = arith.constant 1.000000e+00 : f32
        %max3A_295 = vector.broadcast %max3A_294 : f32 to vector<16xf32>
        %max3A_296 = arith.maximumf %get3A_282, %max3A_295 : vector<16xf32>
        %div3A_297 = arith.divf %get3A_293, %max3A_296 : vector<16xf32>
        %gt3A_298 = arith.constant 5.000000e-01 : f32
        %gt3A_299 = vector.broadcast %gt3A_298 : f32 to vector<16xf32>
        %gt3A_300 = arith.cmpf ogt, %get3A_282, %gt3A_299 : vector<16xf32>
        tpu.vector_store_idx %arg7[%convert_element_type3A_289], %div3A_297 masked %gt3A_300 : memref<4096xf32, #tpu.memory_space<vmem>>[vector<16xi32>], vector<16xf32>, vector<16xi1>
        %reduce_sum3A_301 = arith.constant true
        %reduce_sum3A_302 = vector.broadcast %reduce_sum3A_301 : i1 to vector<16xi1>
        %reduce_sum3A_303 = tpu.scan <sum>, %get3A_282 masked %reduce_sum3A_302 : vector<16xf32>, vector<16xi1> -> vector<16xf32>
        %reduce_sum3A_304 = vector.extract %reduce_sum3A_303[15] : f32 from vector<16xf32>
        %add3A_305 = arith.addf %add3A_276, %reduce_sum3A_304 : f32
        %scan3A_306 = arith.constant 7 : i32
        %scan3A_307 = arith.addi %scan3A_107, %scan3A_306 : i32
        %mul3A_308 = arith.constant 16 : i32
        %mul3A_309 = arith.muli %scan3A_307, %mul3A_308 : i32
        %get3A_310 = arith.index_cast %mul3A_309 : i32 to index
        %get3A_311 = tpu.vector_load %arg6[%get3A_310] {strides = array<i32>} : memref<4096xf32, #tpu.memory_space<vmem>>, vector<16xf32>,
        %broadcast_in_dim3A_312 = arith.constant true
        %broadcast_in_dim3A_313 = vector.broadcast %broadcast_in_dim3A_312 : i1 to vector<16xi1>
        %masked_cumsum3A_314 = tpu.scan <sum>, %get3A_311 masked %broadcast_in_dim3A_313 : vector<16xf32>, vector<16xi1> -> vector<16xf32>
        %broadcast_in_dim3A_315 = vector.broadcast %add3A_305 : f32 to vector<16xf32>
        %add3A_316 = arith.addf %masked_cumsum3A_314, %broadcast_in_dim3A_315 : vector<16xf32>
        %sub3A_317 = arith.subf %add3A_316, %get3A_311 : vector<16xf32>
        %convert_element_type3A_318 = arith.fptosi %sub3A_317 : vector<16xf32> to vector<16xi32>
        %mul3A_319 = arith.constant 16 : i32
        %mul3A_320 = arith.muli %scan3A_307, %mul3A_319 : i32
        %get3A_321 = arith.index_cast %mul3A_320 : i32 to index
        %get3A_322 = tpu.vector_load %arg5[%get3A_321] {strides = array<i32>} : memref<4096xf32, #tpu.memory_space<vmem>>, vector<16xf32>,
        %max3A_323 = arith.constant 1.000000e+00 : f32
        %max3A_324 = vector.broadcast %max3A_323 : f32 to vector<16xf32>
        %max3A_325 = arith.maximumf %get3A_311, %max3A_324 : vector<16xf32>
        %div3A_326 = arith.divf %get3A_322, %max3A_325 : vector<16xf32>
        %gt3A_327 = arith.constant 5.000000e-01 : f32
        %gt3A_328 = vector.broadcast %gt3A_327 : f32 to vector<16xf32>
        %gt3A_329 = arith.cmpf ogt, %get3A_311, %gt3A_328 : vector<16xf32>
        tpu.vector_store_idx %arg7[%convert_element_type3A_318], %div3A_326 masked %gt3A_329 : memref<4096xf32, #tpu.memory_space<vmem>>[vector<16xi32>], vector<16xf32>, vector<16xi1>
        %reduce_sum3A_330 = arith.constant true
        %reduce_sum3A_331 = vector.broadcast %reduce_sum3A_330 : i1 to vector<16xi1>
        %reduce_sum3A_332 = tpu.scan <sum>, %get3A_311 masked %reduce_sum3A_331 : vector<16xf32>, vector<16xi1> -> vector<16xf32>
        %reduce_sum3A_333 = vector.extract %reduce_sum3A_332[15] : f32 from vector<16xf32>
        %add3A_334 = arith.addf %add3A_305, %reduce_sum3A_333 : f32
        scf.yield %add3A_334 : f32
      }
      %scan3A_57 = arith.constant 256 : i32
      %scan3A_58 = arith.constant 0.000000e+00 : f32
      %scan3A_59 = arith.constant 0.000000e+00 : f32
      %scan3A_60 = arith.constant 0.000000e+00 : f32
      %scan3A_61 = arith.constant 0 : i32
      %scan3A_62 = arith.constant 256 : i32
      %scan3A_63 = arith.addi %scan3A_61, %scan3A_62 : i32
      %scan3A_64 = arith.constant 8 : i32
      %scan3A_65:3 = scf.for %scan3A_107 = %scan3A_61 to %scan3A_63 step %scan3A_64 iter_args(%scan3A_108 = %scan3A_58, %scan3A_109 = %scan3A_59, %scan3A_110 = %scan3A_60) -> (f32, f32, f32)  : i32 {
        %mul3A_111 = arith.constant 16 : i32
        %mul3A_112 = arith.muli %scan3A_107, %mul3A_111 : i32
        %get3A = arith.index_cast %mul3A_112 : i32 to index
        %get3A_113 = tpu.vector_load %arg7[%get3A] {strides = array<i32>} : memref<4096xf32, #tpu.memory_space<vmem>>, vector<16xf32>,
        %broadcast_in_dim3A_114 = arith.constant true
        %broadcast_in_dim3A_115 = vector.broadcast %broadcast_in_dim3A_114 : i1 to vector<16xi1>
        %masked_cummax3A = tpu.scan <max>, %get3A_113 masked %broadcast_in_dim3A_115 : vector<16xf32>, vector<16xi1> -> vector<16xf32>
        %broadcast_in_dim3A_116 = vector.broadcast %scan3A_108 : f32 to vector<16xf32>
        %max3A = arith.maximumf %masked_cummax3A, %broadcast_in_dim3A_116 : vector<16xf32>
        %mul3A_117 = arith.mulf %max3A, %max3A : vector<16xf32>
        %broadcast_in_dim3A_118 = arith.constant true
        %broadcast_in_dim3A_119 = vector.broadcast %broadcast_in_dim3A_118 : i1 to vector<16xi1>
        %masked_cumsum3A = tpu.scan <sum>, %max3A masked %broadcast_in_dim3A_119 : vector<16xf32>, vector<16xi1> -> vector<16xf32>
        %broadcast_in_dim3A_120 = vector.broadcast %scan3A_109 : f32 to vector<16xf32>
        %add3A_121 = arith.addf %masked_cumsum3A, %broadcast_in_dim3A_120 : vector<16xf32>
        %broadcast_in_dim3A_122 = arith.constant true
        %broadcast_in_dim3A_123 = vector.broadcast %broadcast_in_dim3A_122 : i1 to vector<16xi1>
        %masked_cumsum3A_124 = tpu.scan <sum>, %mul3A_117 masked %broadcast_in_dim3A_123 : vector<16xf32>, vector<16xi1> -> vector<16xf32>
        %broadcast_in_dim3A_125 = vector.broadcast %scan3A_110 : f32 to vector<16xf32>
        %add3A_126 = arith.addf %masked_cumsum3A_124, %broadcast_in_dim3A_125 : vector<16xf32>
        %mul3A_127 = arith.constant 16 : i32
        %mul3A_128 = arith.muli %scan3A_107, %mul3A_127 : i32
        %swap3A_129 = arith.index_cast %mul3A_128 : i32 to index
        %swap3A_130 = tpu.vector_load %arg8[%swap3A_129] {strides = array<i32>} : memref<4096xf32, #tpu.memory_space<vmem>>, vector<16xf32>,
        tpu.vector_store %arg8[%swap3A_129], %add3A_121 {strides = array<i32>} : memref<4096xf32, #tpu.memory_space<vmem>>, vector<16xf32>,
        %mul3A_131 = arith.constant 16 : i32
        %mul3A_132 = arith.muli %scan3A_107, %mul3A_131 : i32
        %swap3A_133 = arith.index_cast %mul3A_132 : i32 to index
        %swap3A_134 = tpu.vector_load %arg9[%swap3A_133] {strides = array<i32>} : memref<4096xf32, #tpu.memory_space<vmem>>, vector<16xf32>,
        tpu.vector_store %arg9[%swap3A_133], %add3A_126 {strides = array<i32>} : memref<4096xf32, #tpu.memory_space<vmem>>, vector<16xf32>,
        %reduce_max3A_135 = arith.constant true
        %reduce_max3A_136 = vector.broadcast %reduce_max3A_135 : i1 to vector<16xi1>
        %reduce_max3A_137 = tpu.scan <max>, %max3A masked %reduce_max3A_136 : vector<16xf32>, vector<16xi1> -> vector<16xf32>
        %reduce_max3A_138 = vector.extract %reduce_max3A_137[15] : f32 from vector<16xf32>
        %reduce_sum3A_139 = arith.constant true
        %reduce_sum3A_140 = vector.broadcast %reduce_sum3A_139 : i1 to vector<16xi1>
        %reduce_sum3A_141 = tpu.scan <sum>, %max3A masked %reduce_sum3A_140 : vector<16xf32>, vector<16xi1> -> vector<16xf32>
        %reduce_sum3A_142 = vector.extract %reduce_sum3A_141[15] : f32 from vector<16xf32>
        %add3A_143 = arith.addf %scan3A_109, %reduce_sum3A_142 : f32
        %reduce_sum3A_144 = arith.constant true
        %reduce_sum3A_145 = vector.broadcast %reduce_sum3A_144 : i1 to vector<16xi1>
        %reduce_sum3A_146 = tpu.scan <sum>, %mul3A_117 masked %reduce_sum3A_145 : vector<16xf32>, vector<16xi1> -> vector<16xf32>
        %reduce_sum3A_147 = vector.extract %reduce_sum3A_146[15] : f32 from vector<16xf32>
        %add3A_148 = arith.addf %scan3A_110, %reduce_sum3A_147 : f32
        %scan3A_149 = arith.constant 1 : i32
        %scan3A_150 = arith.addi %scan3A_107, %scan3A_149 : i32
        %mul3A_151 = arith.constant 16 : i32
        %mul3A_152 = arith.muli %scan3A_150, %mul3A_151 : i32
        %get3A_153 = arith.index_cast %mul3A_152 : i32 to index
        %get3A_154 = tpu.vector_load %arg7[%get3A_153] {strides = array<i32>} : memref<4096xf32, #tpu.memory_space<vmem>>, vector<16xf32>,
        %broadcast_in_dim3A_155 = arith.constant true
        %broadcast_in_dim3A_156 = vector.broadcast %broadcast_in_dim3A_155 : i1 to vector<16xi1>
        %masked_cummax3A_157 = tpu.scan <max>, %get3A_154 masked %broadcast_in_dim3A_156 : vector<16xf32>, vector<16xi1> -> vector<16xf32>
        %broadcast_in_dim3A_158 = vector.broadcast %reduce_max3A_138 : f32 to vector<16xf32>
        %max3A_159 = arith.maximumf %masked_cummax3A_157, %broadcast_in_dim3A_158 : vector<16xf32>
        %mul3A_160 = arith.mulf %max3A_159, %max3A_159 : vector<16xf32>
        %broadcast_in_dim3A_161 = arith.constant true
        %broadcast_in_dim3A_162 = vector.broadcast %broadcast_in_dim3A_161 : i1 to vector<16xi1>
        %masked_cumsum3A_163 = tpu.scan <sum>, %max3A_159 masked %broadcast_in_dim3A_162 : vector<16xf32>, vector<16xi1> -> vector<16xf32>
        %broadcast_in_dim3A_164 = vector.broadcast %add3A_143 : f32 to vector<16xf32>
        %add3A_165 = arith.addf %masked_cumsum3A_163, %broadcast_in_dim3A_164 : vector<16xf32>
        %broadcast_in_dim3A_166 = arith.constant true
        %broadcast_in_dim3A_167 = vector.broadcast %broadcast_in_dim3A_166 : i1 to vector<16xi1>
        %masked_cumsum3A_168 = tpu.scan <sum>, %mul3A_160 masked %broadcast_in_dim3A_167 : vector<16xf32>, vector<16xi1> -> vector<16xf32>
        %broadcast_in_dim3A_169 = vector.broadcast %add3A_148 : f32 to vector<16xf32>
        %add3A_170 = arith.addf %masked_cumsum3A_168, %broadcast_in_dim3A_169 : vector<16xf32>
        %mul3A_171 = arith.constant 16 : i32
        %mul3A_172 = arith.muli %scan3A_150, %mul3A_171 : i32
        %swap3A_173 = arith.index_cast %mul3A_172 : i32 to index
        %swap3A_174 = tpu.vector_load %arg8[%swap3A_173] {strides = array<i32>} : memref<4096xf32, #tpu.memory_space<vmem>>, vector<16xf32>,
        tpu.vector_store %arg8[%swap3A_173], %add3A_165 {strides = array<i32>} : memref<4096xf32, #tpu.memory_space<vmem>>, vector<16xf32>,
        %mul3A_175 = arith.constant 16 : i32
        %mul3A_176 = arith.muli %scan3A_150, %mul3A_175 : i32
        %swap3A_177 = arith.index_cast %mul3A_176 : i32 to index
        %swap3A_178 = tpu.vector_load %arg9[%swap3A_177] {strides = array<i32>} : memref<4096xf32, #tpu.memory_space<vmem>>, vector<16xf32>,
        tpu.vector_store %arg9[%swap3A_177], %add3A_170 {strides = array<i32>} : memref<4096xf32, #tpu.memory_space<vmem>>, vector<16xf32>,
        %reduce_max3A_179 = arith.constant true
        %reduce_max3A_180 = vector.broadcast %reduce_max3A_179 : i1 to vector<16xi1>
        %reduce_max3A_181 = tpu.scan <max>, %max3A_159 masked %reduce_max3A_180 : vector<16xf32>, vector<16xi1> -> vector<16xf32>
        %reduce_max3A_182 = vector.extract %reduce_max3A_181[15] : f32 from vector<16xf32>
        %reduce_sum3A_183 = arith.constant true
        %reduce_sum3A_184 = vector.broadcast %reduce_sum3A_183 : i1 to vector<16xi1>
        %reduce_sum3A_185 = tpu.scan <sum>, %max3A_159 masked %reduce_sum3A_184 : vector<16xf32>, vector<16xi1> -> vector<16xf32>
        %reduce_sum3A_186 = vector.extract %reduce_sum3A_185[15] : f32 from vector<16xf32>
        %add3A_187 = arith.addf %add3A_143, %reduce_sum3A_186 : f32
        %reduce_sum3A_188 = arith.constant true
        %reduce_sum3A_189 = vector.broadcast %reduce_sum3A_188 : i1 to vector<16xi1>
        %reduce_sum3A_190 = tpu.scan <sum>, %mul3A_160 masked %reduce_sum3A_189 : vector<16xf32>, vector<16xi1> -> vector<16xf32>
        %reduce_sum3A_191 = vector.extract %reduce_sum3A_190[15] : f32 from vector<16xf32>
        %add3A_192 = arith.addf %add3A_148, %reduce_sum3A_191 : f32
        %scan3A_193 = arith.constant 2 : i32
        %scan3A_194 = arith.addi %scan3A_107, %scan3A_193 : i32
        %mul3A_195 = arith.constant 16 : i32
        %mul3A_196 = arith.muli %scan3A_194, %mul3A_195 : i32
        %get3A_197 = arith.index_cast %mul3A_196 : i32 to index
        %get3A_198 = tpu.vector_load %arg7[%get3A_197] {strides = array<i32>} : memref<4096xf32, #tpu.memory_space<vmem>>, vector<16xf32>,
        %broadcast_in_dim3A_199 = arith.constant true
        %broadcast_in_dim3A_200 = vector.broadcast %broadcast_in_dim3A_199 : i1 to vector<16xi1>
        %masked_cummax3A_201 = tpu.scan <max>, %get3A_198 masked %broadcast_in_dim3A_200 : vector<16xf32>, vector<16xi1> -> vector<16xf32>
        %broadcast_in_dim3A_202 = vector.broadcast %reduce_max3A_182 : f32 to vector<16xf32>
        %max3A_203 = arith.maximumf %masked_cummax3A_201, %broadcast_in_dim3A_202 : vector<16xf32>
        %mul3A_204 = arith.mulf %max3A_203, %max3A_203 : vector<16xf32>
        %broadcast_in_dim3A_205 = arith.constant true
        %broadcast_in_dim3A_206 = vector.broadcast %broadcast_in_dim3A_205 : i1 to vector<16xi1>
        %masked_cumsum3A_207 = tpu.scan <sum>, %max3A_203 masked %broadcast_in_dim3A_206 : vector<16xf32>, vector<16xi1> -> vector<16xf32>
        %broadcast_in_dim3A_208 = vector.broadcast %add3A_187 : f32 to vector<16xf32>
        %add3A_209 = arith.addf %masked_cumsum3A_207, %broadcast_in_dim3A_208 : vector<16xf32>
        %broadcast_in_dim3A_210 = arith.constant true
        %broadcast_in_dim3A_211 = vector.broadcast %broadcast_in_dim3A_210 : i1 to vector<16xi1>
        %masked_cumsum3A_212 = tpu.scan <sum>, %mul3A_204 masked %broadcast_in_dim3A_211 : vector<16xf32>, vector<16xi1> -> vector<16xf32>
        %broadcast_in_dim3A_213 = vector.broadcast %add3A_192 : f32 to vector<16xf32>
        %add3A_214 = arith.addf %masked_cumsum3A_212, %broadcast_in_dim3A_213 : vector<16xf32>
        %mul3A_215 = arith.constant 16 : i32
        %mul3A_216 = arith.muli %scan3A_194, %mul3A_215 : i32
        %swap3A_217 = arith.index_cast %mul3A_216 : i32 to index
        %swap3A_218 = tpu.vector_load %arg8[%swap3A_217] {strides = array<i32>} : memref<4096xf32, #tpu.memory_space<vmem>>, vector<16xf32>,
        tpu.vector_store %arg8[%swap3A_217], %add3A_209 {strides = array<i32>} : memref<4096xf32, #tpu.memory_space<vmem>>, vector<16xf32>,
        %mul3A_219 = arith.constant 16 : i32
        %mul3A_220 = arith.muli %scan3A_194, %mul3A_219 : i32
        %swap3A_221 = arith.index_cast %mul3A_220 : i32 to index
        %swap3A_222 = tpu.vector_load %arg9[%swap3A_221] {strides = array<i32>} : memref<4096xf32, #tpu.memory_space<vmem>>, vector<16xf32>,
        tpu.vector_store %arg9[%swap3A_221], %add3A_214 {strides = array<i32>} : memref<4096xf32, #tpu.memory_space<vmem>>, vector<16xf32>,
        %reduce_max3A_223 = arith.constant true
        %reduce_max3A_224 = vector.broadcast %reduce_max3A_223 : i1 to vector<16xi1>
        %reduce_max3A_225 = tpu.scan <max>, %max3A_203 masked %reduce_max3A_224 : vector<16xf32>, vector<16xi1> -> vector<16xf32>
        %reduce_max3A_226 = vector.extract %reduce_max3A_225[15] : f32 from vector<16xf32>
        %reduce_sum3A_227 = arith.constant true
        %reduce_sum3A_228 = vector.broadcast %reduce_sum3A_227 : i1 to vector<16xi1>
        %reduce_sum3A_229 = tpu.scan <sum>, %max3A_203 masked %reduce_sum3A_228 : vector<16xf32>, vector<16xi1> -> vector<16xf32>
        %reduce_sum3A_230 = vector.extract %reduce_sum3A_229[15] : f32 from vector<16xf32>
        %add3A_231 = arith.addf %add3A_187, %reduce_sum3A_230 : f32
        %reduce_sum3A_232 = arith.constant true
        %reduce_sum3A_233 = vector.broadcast %reduce_sum3A_232 : i1 to vector<16xi1>
        %reduce_sum3A_234 = tpu.scan <sum>, %mul3A_204 masked %reduce_sum3A_233 : vector<16xf32>, vector<16xi1> -> vector<16xf32>
        %reduce_sum3A_235 = vector.extract %reduce_sum3A_234[15] : f32 from vector<16xf32>
        %add3A_236 = arith.addf %add3A_192, %reduce_sum3A_235 : f32
        %scan3A_237 = arith.constant 3 : i32
        %scan3A_238 = arith.addi %scan3A_107, %scan3A_237 : i32
        %mul3A_239 = arith.constant 16 : i32
        %mul3A_240 = arith.muli %scan3A_238, %mul3A_239 : i32
        %get3A_241 = arith.index_cast %mul3A_240 : i32 to index
        %get3A_242 = tpu.vector_load %arg7[%get3A_241] {strides = array<i32>} : memref<4096xf32, #tpu.memory_space<vmem>>, vector<16xf32>,
        %broadcast_in_dim3A_243 = arith.constant true
        %broadcast_in_dim3A_244 = vector.broadcast %broadcast_in_dim3A_243 : i1 to vector<16xi1>
        %masked_cummax3A_245 = tpu.scan <max>, %get3A_242 masked %broadcast_in_dim3A_244 : vector<16xf32>, vector<16xi1> -> vector<16xf32>
        %broadcast_in_dim3A_246 = vector.broadcast %reduce_max3A_226 : f32 to vector<16xf32>
        %max3A_247 = arith.maximumf %masked_cummax3A_245, %broadcast_in_dim3A_246 : vector<16xf32>
        %mul3A_248 = arith.mulf %max3A_247, %max3A_247 : vector<16xf32>
        %broadcast_in_dim3A_249 = arith.constant true
        %broadcast_in_dim3A_250 = vector.broadcast %broadcast_in_dim3A_249 : i1 to vector<16xi1>
        %masked_cumsum3A_251 = tpu.scan <sum>, %max3A_247 masked %broadcast_in_dim3A_250 : vector<16xf32>, vector<16xi1> -> vector<16xf32>
        %broadcast_in_dim3A_252 = vector.broadcast %add3A_231 : f32 to vector<16xf32>
        %add3A_253 = arith.addf %masked_cumsum3A_251, %broadcast_in_dim3A_252 : vector<16xf32>
        %broadcast_in_dim3A_254 = arith.constant true
        %broadcast_in_dim3A_255 = vector.broadcast %broadcast_in_dim3A_254 : i1 to vector<16xi1>
        %masked_cumsum3A_256 = tpu.scan <sum>, %mul3A_248 masked %broadcast_in_dim3A_255 : vector<16xf32>, vector<16xi1> -> vector<16xf32>
        %broadcast_in_dim3A_257 = vector.broadcast %add3A_236 : f32 to vector<16xf32>
        %add3A_258 = arith.addf %masked_cumsum3A_256, %broadcast_in_dim3A_257 : vector<16xf32>
        %mul3A_259 = arith.constant 16 : i32
        %mul3A_260 = arith.muli %scan3A_238, %mul3A_259 : i32
        %swap3A_261 = arith.index_cast %mul3A_260 : i32 to index
        %swap3A_262 = tpu.vector_load %arg8[%swap3A_261] {strides = array<i32>} : memref<4096xf32, #tpu.memory_space<vmem>>, vector<16xf32>,
        tpu.vector_store %arg8[%swap3A_261], %add3A_253 {strides = array<i32>} : memref<4096xf32, #tpu.memory_space<vmem>>, vector<16xf32>,
        %mul3A_263 = arith.constant 16 : i32
        %mul3A_264 = arith.muli %scan3A_238, %mul3A_263 : i32
        %swap3A_265 = arith.index_cast %mul3A_264 : i32 to index
        %swap3A_266 = tpu.vector_load %arg9[%swap3A_265] {strides = array<i32>} : memref<4096xf32, #tpu.memory_space<vmem>>, vector<16xf32>,
        tpu.vector_store %arg9[%swap3A_265], %add3A_258 {strides = array<i32>} : memref<4096xf32, #tpu.memory_space<vmem>>, vector<16xf32>,
        %reduce_max3A_267 = arith.constant true
        %reduce_max3A_268 = vector.broadcast %reduce_max3A_267 : i1 to vector<16xi1>
        %reduce_max3A_269 = tpu.scan <max>, %max3A_247 masked %reduce_max3A_268 : vector<16xf32>, vector<16xi1> -> vector<16xf32>
        %reduce_max3A_270 = vector.extract %reduce_max3A_269[15] : f32 from vector<16xf32>
        %reduce_sum3A_271 = arith.constant true
        %reduce_sum3A_272 = vector.broadcast %reduce_sum3A_271 : i1 to vector<16xi1>
        %reduce_sum3A_273 = tpu.scan <sum>, %max3A_247 masked %reduce_sum3A_272 : vector<16xf32>, vector<16xi1> -> vector<16xf32>
        %reduce_sum3A_274 = vector.extract %reduce_sum3A_273[15] : f32 from vector<16xf32>
        %add3A_275 = arith.addf %add3A_231, %reduce_sum3A_274 : f32
        %reduce_sum3A_276 = arith.constant true
        %reduce_sum3A_277 = vector.broadcast %reduce_sum3A_276 : i1 to vector<16xi1>
        %reduce_sum3A_278 = tpu.scan <sum>, %mul3A_248 masked %reduce_sum3A_277 : vector<16xf32>, vector<16xi1> -> vector<16xf32>
        %reduce_sum3A_279 = vector.extract %reduce_sum3A_278[15] : f32 from vector<16xf32>
        %add3A_280 = arith.addf %add3A_236, %reduce_sum3A_279 : f32
        %scan3A_281 = arith.constant 4 : i32
        %scan3A_282 = arith.addi %scan3A_107, %scan3A_281 : i32
        %mul3A_283 = arith.constant 16 : i32
        %mul3A_284 = arith.muli %scan3A_282, %mul3A_283 : i32
        %get3A_285 = arith.index_cast %mul3A_284 : i32 to index
        %get3A_286 = tpu.vector_load %arg7[%get3A_285] {strides = array<i32>} : memref<4096xf32, #tpu.memory_space<vmem>>, vector<16xf32>,
        %broadcast_in_dim3A_287 = arith.constant true
        %broadcast_in_dim3A_288 = vector.broadcast %broadcast_in_dim3A_287 : i1 to vector<16xi1>
        %masked_cummax3A_289 = tpu.scan <max>, %get3A_286 masked %broadcast_in_dim3A_288 : vector<16xf32>, vector<16xi1> -> vector<16xf32>
        %broadcast_in_dim3A_290 = vector.broadcast %reduce_max3A_270 : f32 to vector<16xf32>
        %max3A_291 = arith.maximumf %masked_cummax3A_289, %broadcast_in_dim3A_290 : vector<16xf32>
        %mul3A_292 = arith.mulf %max3A_291, %max3A_291 : vector<16xf32>
        %broadcast_in_dim3A_293 = arith.constant true
        %broadcast_in_dim3A_294 = vector.broadcast %broadcast_in_dim3A_293 : i1 to vector<16xi1>
        %masked_cumsum3A_295 = tpu.scan <sum>, %max3A_291 masked %broadcast_in_dim3A_294 : vector<16xf32>, vector<16xi1> -> vector<16xf32>
        %broadcast_in_dim3A_296 = vector.broadcast %add3A_275 : f32 to vector<16xf32>
        %add3A_297 = arith.addf %masked_cumsum3A_295, %broadcast_in_dim3A_296 : vector<16xf32>
        %broadcast_in_dim3A_298 = arith.constant true
        %broadcast_in_dim3A_299 = vector.broadcast %broadcast_in_dim3A_298 : i1 to vector<16xi1>
        %masked_cumsum3A_300 = tpu.scan <sum>, %mul3A_292 masked %broadcast_in_dim3A_299 : vector<16xf32>, vector<16xi1> -> vector<16xf32>
        %broadcast_in_dim3A_301 = vector.broadcast %add3A_280 : f32 to vector<16xf32>
        %add3A_302 = arith.addf %masked_cumsum3A_300, %broadcast_in_dim3A_301 : vector<16xf32>
        %mul3A_303 = arith.constant 16 : i32
        %mul3A_304 = arith.muli %scan3A_282, %mul3A_303 : i32
        %swap3A_305 = arith.index_cast %mul3A_304 : i32 to index
        %swap3A_306 = tpu.vector_load %arg8[%swap3A_305] {strides = array<i32>} : memref<4096xf32, #tpu.memory_space<vmem>>, vector<16xf32>,
        tpu.vector_store %arg8[%swap3A_305], %add3A_297 {strides = array<i32>} : memref<4096xf32, #tpu.memory_space<vmem>>, vector<16xf32>,
        %mul3A_307 = arith.constant 16 : i32
        %mul3A_308 = arith.muli %scan3A_282, %mul3A_307 : i32
        %swap3A_309 = arith.index_cast %mul3A_308 : i32 to index
        %swap3A_310 = tpu.vector_load %arg9[%swap3A_309] {strides = array<i32>} : memref<4096xf32, #tpu.memory_space<vmem>>, vector<16xf32>,
        tpu.vector_store %arg9[%swap3A_309], %add3A_302 {strides = array<i32>} : memref<4096xf32, #tpu.memory_space<vmem>>, vector<16xf32>,
        %reduce_max3A_311 = arith.constant true
        %reduce_max3A_312 = vector.broadcast %reduce_max3A_311 : i1 to vector<16xi1>
        %reduce_max3A_313 = tpu.scan <max>, %max3A_291 masked %reduce_max3A_312 : vector<16xf32>, vector<16xi1> -> vector<16xf32>
        %reduce_max3A_314 = vector.extract %reduce_max3A_313[15] : f32 from vector<16xf32>
        %reduce_sum3A_315 = arith.constant true
        %reduce_sum3A_316 = vector.broadcast %reduce_sum3A_315 : i1 to vector<16xi1>
        %reduce_sum3A_317 = tpu.scan <sum>, %max3A_291 masked %reduce_sum3A_316 : vector<16xf32>, vector<16xi1> -> vector<16xf32>
        %reduce_sum3A_318 = vector.extract %reduce_sum3A_317[15] : f32 from vector<16xf32>
        %add3A_319 = arith.addf %add3A_275, %reduce_sum3A_318 : f32
        %reduce_sum3A_320 = arith.constant true
        %reduce_sum3A_321 = vector.broadcast %reduce_sum3A_320 : i1 to vector<16xi1>
        %reduce_sum3A_322 = tpu.scan <sum>, %mul3A_292 masked %reduce_sum3A_321 : vector<16xf32>, vector<16xi1> -> vector<16xf32>
        %reduce_sum3A_323 = vector.extract %reduce_sum3A_322[15] : f32 from vector<16xf32>
        %add3A_324 = arith.addf %add3A_280, %reduce_sum3A_323 : f32
        %scan3A_325 = arith.constant 5 : i32
        %scan3A_326 = arith.addi %scan3A_107, %scan3A_325 : i32
        %mul3A_327 = arith.constant 16 : i32
        %mul3A_328 = arith.muli %scan3A_326, %mul3A_327 : i32
        %get3A_329 = arith.index_cast %mul3A_328 : i32 to index
        %get3A_330 = tpu.vector_load %arg7[%get3A_329] {strides = array<i32>} : memref<4096xf32, #tpu.memory_space<vmem>>, vector<16xf32>,
        %broadcast_in_dim3A_331 = arith.constant true
        %broadcast_in_dim3A_332 = vector.broadcast %broadcast_in_dim3A_331 : i1 to vector<16xi1>
        %masked_cummax3A_333 = tpu.scan <max>, %get3A_330 masked %broadcast_in_dim3A_332 : vector<16xf32>, vector<16xi1> -> vector<16xf32>
        %broadcast_in_dim3A_334 = vector.broadcast %reduce_max3A_314 : f32 to vector<16xf32>
        %max3A_335 = arith.maximumf %masked_cummax3A_333, %broadcast_in_dim3A_334 : vector<16xf32>
        %mul3A_336 = arith.mulf %max3A_335, %max3A_335 : vector<16xf32>
        %broadcast_in_dim3A_337 = arith.constant true
        %broadcast_in_dim3A_338 = vector.broadcast %broadcast_in_dim3A_337 : i1 to vector<16xi1>
        %masked_cumsum3A_339 = tpu.scan <sum>, %max3A_335 masked %broadcast_in_dim3A_338 : vector<16xf32>, vector<16xi1> -> vector<16xf32>
        %broadcast_in_dim3A_340 = vector.broadcast %add3A_319 : f32 to vector<16xf32>
        %add3A_341 = arith.addf %masked_cumsum3A_339, %broadcast_in_dim3A_340 : vector<16xf32>
        %broadcast_in_dim3A_342 = arith.constant true
        %broadcast_in_dim3A_343 = vector.broadcast %broadcast_in_dim3A_342 : i1 to vector<16xi1>
        %masked_cumsum3A_344 = tpu.scan <sum>, %mul3A_336 masked %broadcast_in_dim3A_343 : vector<16xf32>, vector<16xi1> -> vector<16xf32>
        %broadcast_in_dim3A_345 = vector.broadcast %add3A_324 : f32 to vector<16xf32>
        %add3A_346 = arith.addf %masked_cumsum3A_344, %broadcast_in_dim3A_345 : vector<16xf32>
        %mul3A_347 = arith.constant 16 : i32
        %mul3A_348 = arith.muli %scan3A_326, %mul3A_347 : i32
        %swap3A_349 = arith.index_cast %mul3A_348 : i32 to index
        %swap3A_350 = tpu.vector_load %arg8[%swap3A_349] {strides = array<i32>} : memref<4096xf32, #tpu.memory_space<vmem>>, vector<16xf32>,
        tpu.vector_store %arg8[%swap3A_349], %add3A_341 {strides = array<i32>} : memref<4096xf32, #tpu.memory_space<vmem>>, vector<16xf32>,
        %mul3A_351 = arith.constant 16 : i32
        %mul3A_352 = arith.muli %scan3A_326, %mul3A_351 : i32
        %swap3A_353 = arith.index_cast %mul3A_352 : i32 to index
        %swap3A_354 = tpu.vector_load %arg9[%swap3A_353] {strides = array<i32>} : memref<4096xf32, #tpu.memory_space<vmem>>, vector<16xf32>,
        tpu.vector_store %arg9[%swap3A_353], %add3A_346 {strides = array<i32>} : memref<4096xf32, #tpu.memory_space<vmem>>, vector<16xf32>,
        %reduce_max3A_355 = arith.constant true
        %reduce_max3A_356 = vector.broadcast %reduce_max3A_355 : i1 to vector<16xi1>
        %reduce_max3A_357 = tpu.scan <max>, %max3A_335 masked %reduce_max3A_356 : vector<16xf32>, vector<16xi1> -> vector<16xf32>
        %reduce_max3A_358 = vector.extract %reduce_max3A_357[15] : f32 from vector<16xf32>
        %reduce_sum3A_359 = arith.constant true
        %reduce_sum3A_360 = vector.broadcast %reduce_sum3A_359 : i1 to vector<16xi1>
        %reduce_sum3A_361 = tpu.scan <sum>, %max3A_335 masked %reduce_sum3A_360 : vector<16xf32>, vector<16xi1> -> vector<16xf32>
        %reduce_sum3A_362 = vector.extract %reduce_sum3A_361[15] : f32 from vector<16xf32>
        %add3A_363 = arith.addf %add3A_319, %reduce_sum3A_362 : f32
        %reduce_sum3A_364 = arith.constant true
        %reduce_sum3A_365 = vector.broadcast %reduce_sum3A_364 : i1 to vector<16xi1>
        %reduce_sum3A_366 = tpu.scan <sum>, %mul3A_336 masked %reduce_sum3A_365 : vector<16xf32>, vector<16xi1> -> vector<16xf32>
        %reduce_sum3A_367 = vector.extract %reduce_sum3A_366[15] : f32 from vector<16xf32>
        %add3A_368 = arith.addf %add3A_324, %reduce_sum3A_367 : f32
        %scan3A_369 = arith.constant 6 : i32
        %scan3A_370 = arith.addi %scan3A_107, %scan3A_369 : i32
        %mul3A_371 = arith.constant 16 : i32
        %mul3A_372 = arith.muli %scan3A_370, %mul3A_371 : i32
        %get3A_373 = arith.index_cast %mul3A_372 : i32 to index
        %get3A_374 = tpu.vector_load %arg7[%get3A_373] {strides = array<i32>} : memref<4096xf32, #tpu.memory_space<vmem>>, vector<16xf32>,
        %broadcast_in_dim3A_375 = arith.constant true
        %broadcast_in_dim3A_376 = vector.broadcast %broadcast_in_dim3A_375 : i1 to vector<16xi1>
        %masked_cummax3A_377 = tpu.scan <max>, %get3A_374 masked %broadcast_in_dim3A_376 : vector<16xf32>, vector<16xi1> -> vector<16xf32>
        %broadcast_in_dim3A_378 = vector.broadcast %reduce_max3A_358 : f32 to vector<16xf32>
        %max3A_379 = arith.maximumf %masked_cummax3A_377, %broadcast_in_dim3A_378 : vector<16xf32>
        %mul3A_380 = arith.mulf %max3A_379, %max3A_379 : vector<16xf32>
        %broadcast_in_dim3A_381 = arith.constant true
        %broadcast_in_dim3A_382 = vector.broadcast %broadcast_in_dim3A_381 : i1 to vector<16xi1>
        %masked_cumsum3A_383 = tpu.scan <sum>, %max3A_379 masked %broadcast_in_dim3A_382 : vector<16xf32>, vector<16xi1> -> vector<16xf32>
        %broadcast_in_dim3A_384 = vector.broadcast %add3A_363 : f32 to vector<16xf32>
        %add3A_385 = arith.addf %masked_cumsum3A_383, %broadcast_in_dim3A_384 : vector<16xf32>
        %broadcast_in_dim3A_386 = arith.constant true
        %broadcast_in_dim3A_387 = vector.broadcast %broadcast_in_dim3A_386 : i1 to vector<16xi1>
        %masked_cumsum3A_388 = tpu.scan <sum>, %mul3A_380 masked %broadcast_in_dim3A_387 : vector<16xf32>, vector<16xi1> -> vector<16xf32>
        %broadcast_in_dim3A_389 = vector.broadcast %add3A_368 : f32 to vector<16xf32>
        %add3A_390 = arith.addf %masked_cumsum3A_388, %broadcast_in_dim3A_389 : vector<16xf32>
        %mul3A_391 = arith.constant 16 : i32
        %mul3A_392 = arith.muli %scan3A_370, %mul3A_391 : i32
        %swap3A_393 = arith.index_cast %mul3A_392 : i32 to index
        %swap3A_394 = tpu.vector_load %arg8[%swap3A_393] {strides = array<i32>} : memref<4096xf32, #tpu.memory_space<vmem>>, vector<16xf32>,
        tpu.vector_store %arg8[%swap3A_393], %add3A_385 {strides = array<i32>} : memref<4096xf32, #tpu.memory_space<vmem>>, vector<16xf32>,
        %mul3A_395 = arith.constant 16 : i32
        %mul3A_396 = arith.muli %scan3A_370, %mul3A_395 : i32
        %swap3A_397 = arith.index_cast %mul3A_396 : i32 to index
        %swap3A_398 = tpu.vector_load %arg9[%swap3A_397] {strides = array<i32>} : memref<4096xf32, #tpu.memory_space<vmem>>, vector<16xf32>,
        tpu.vector_store %arg9[%swap3A_397], %add3A_390 {strides = array<i32>} : memref<4096xf32, #tpu.memory_space<vmem>>, vector<16xf32>,
        %reduce_max3A_399 = arith.constant true
        %reduce_max3A_400 = vector.broadcast %reduce_max3A_399 : i1 to vector<16xi1>
        %reduce_max3A_401 = tpu.scan <max>, %max3A_379 masked %reduce_max3A_400 : vector<16xf32>, vector<16xi1> -> vector<16xf32>
        %reduce_max3A_402 = vector.extract %reduce_max3A_401[15] : f32 from vector<16xf32>
        %reduce_sum3A_403 = arith.constant true
        %reduce_sum3A_404 = vector.broadcast %reduce_sum3A_403 : i1 to vector<16xi1>
        %reduce_sum3A_405 = tpu.scan <sum>, %max3A_379 masked %reduce_sum3A_404 : vector<16xf32>, vector<16xi1> -> vector<16xf32>
        %reduce_sum3A_406 = vector.extract %reduce_sum3A_405[15] : f32 from vector<16xf32>
        %add3A_407 = arith.addf %add3A_363, %reduce_sum3A_406 : f32
        %reduce_sum3A_408 = arith.constant true
        %reduce_sum3A_409 = vector.broadcast %reduce_sum3A_408 : i1 to vector<16xi1>
        %reduce_sum3A_410 = tpu.scan <sum>, %mul3A_380 masked %reduce_sum3A_409 : vector<16xf32>, vector<16xi1> -> vector<16xf32>
        %reduce_sum3A_411 = vector.extract %reduce_sum3A_410[15] : f32 from vector<16xf32>
        %add3A_412 = arith.addf %add3A_368, %reduce_sum3A_411 : f32
        %scan3A_413 = arith.constant 7 : i32
        %scan3A_414 = arith.addi %scan3A_107, %scan3A_413 : i32
        %mul3A_415 = arith.constant 16 : i32
        %mul3A_416 = arith.muli %scan3A_414, %mul3A_415 : i32
        %get3A_417 = arith.index_cast %mul3A_416 : i32 to index
        %get3A_418 = tpu.vector_load %arg7[%get3A_417] {strides = array<i32>} : memref<4096xf32, #tpu.memory_space<vmem>>, vector<16xf32>,
        %broadcast_in_dim3A_419 = arith.constant true
        %broadcast_in_dim3A_420 = vector.broadcast %broadcast_in_dim3A_419 : i1 to vector<16xi1>
        %masked_cummax3A_421 = tpu.scan <max>, %get3A_418 masked %broadcast_in_dim3A_420 : vector<16xf32>, vector<16xi1> -> vector<16xf32>
        %broadcast_in_dim3A_422 = vector.broadcast %reduce_max3A_402 : f32 to vector<16xf32>
        %max3A_423 = arith.maximumf %masked_cummax3A_421, %broadcast_in_dim3A_422 : vector<16xf32>
        %mul3A_424 = arith.mulf %max3A_423, %max3A_423 : vector<16xf32>
        %broadcast_in_dim3A_425 = arith.constant true
        %broadcast_in_dim3A_426 = vector.broadcast %broadcast_in_dim3A_425 : i1 to vector<16xi1>
        %masked_cumsum3A_427 = tpu.scan <sum>, %max3A_423 masked %broadcast_in_dim3A_426 : vector<16xf32>, vector<16xi1> -> vector<16xf32>
        %broadcast_in_dim3A_428 = vector.broadcast %add3A_407 : f32 to vector<16xf32>
        %add3A_429 = arith.addf %masked_cumsum3A_427, %broadcast_in_dim3A_428 : vector<16xf32>
        %broadcast_in_dim3A_430 = arith.constant true
        %broadcast_in_dim3A_431 = vector.broadcast %broadcast_in_dim3A_430 : i1 to vector<16xi1>
        %masked_cumsum3A_432 = tpu.scan <sum>, %mul3A_424 masked %broadcast_in_dim3A_431 : vector<16xf32>, vector<16xi1> -> vector<16xf32>
        %broadcast_in_dim3A_433 = vector.broadcast %add3A_412 : f32 to vector<16xf32>
        %add3A_434 = arith.addf %masked_cumsum3A_432, %broadcast_in_dim3A_433 : vector<16xf32>
        %mul3A_435 = arith.constant 16 : i32
        %mul3A_436 = arith.muli %scan3A_414, %mul3A_435 : i32
        %swap3A_437 = arith.index_cast %mul3A_436 : i32 to index
        %swap3A_438 = tpu.vector_load %arg8[%swap3A_437] {strides = array<i32>} : memref<4096xf32, #tpu.memory_space<vmem>>, vector<16xf32>,
        tpu.vector_store %arg8[%swap3A_437], %add3A_429 {strides = array<i32>} : memref<4096xf32, #tpu.memory_space<vmem>>, vector<16xf32>,
        %mul3A_439 = arith.constant 16 : i32
        %mul3A_440 = arith.muli %scan3A_414, %mul3A_439 : i32
        %swap3A_441 = arith.index_cast %mul3A_440 : i32 to index
        %swap3A_442 = tpu.vector_load %arg9[%swap3A_441] {strides = array<i32>} : memref<4096xf32, #tpu.memory_space<vmem>>, vector<16xf32>,
        tpu.vector_store %arg9[%swap3A_441], %add3A_434 {strides = array<i32>} : memref<4096xf32, #tpu.memory_space<vmem>>, vector<16xf32>,
        %reduce_max3A_443 = arith.constant true
        %reduce_max3A_444 = vector.broadcast %reduce_max3A_443 : i1 to vector<16xi1>
        %reduce_max3A_445 = tpu.scan <max>, %max3A_423 masked %reduce_max3A_444 : vector<16xf32>, vector<16xi1> -> vector<16xf32>
        %reduce_max3A_446 = vector.extract %reduce_max3A_445[15] : f32 from vector<16xf32>
        %reduce_sum3A_447 = arith.constant true
        %reduce_sum3A_448 = vector.broadcast %reduce_sum3A_447 : i1 to vector<16xi1>
        %reduce_sum3A_449 = tpu.scan <sum>, %max3A_423 masked %reduce_sum3A_448 : vector<16xf32>, vector<16xi1> -> vector<16xf32>
        %reduce_sum3A_450 = vector.extract %reduce_sum3A_449[15] : f32 from vector<16xf32>
        %add3A_451 = arith.addf %add3A_407, %reduce_sum3A_450 : f32
        %reduce_sum3A_452 = arith.constant true
        %reduce_sum3A_453 = vector.broadcast %reduce_sum3A_452 : i1 to vector<16xi1>
        %reduce_sum3A_454 = tpu.scan <sum>, %mul3A_424 masked %reduce_sum3A_453 : vector<16xf32>, vector<16xi1> -> vector<16xf32>
        %reduce_sum3A_455 = vector.extract %reduce_sum3A_454[15] : f32 from vector<16xf32>
        %add3A_456 = arith.addf %add3A_412, %reduce_sum3A_455 : f32
        scf.yield %reduce_max3A_446, %add3A_451, %add3A_456 : f32, f32, f32
      }
      %scan3A_66 = arith.constant 256 : i32
      %broadcast_in_dim3A_67 = arith.constant 3.000000e+38 : f32
      %broadcast_in_dim3A_68 = vector.broadcast %broadcast_in_dim3A_67 : f32 to vector<16xf32>
      %broadcast_in_dim3A_69 = arith.constant 1073741824 : i32
      %broadcast_in_dim3A_70 = vector.broadcast %broadcast_in_dim3A_69 : i32 to vector<16xi32>
      %scan3A_71 = arith.constant 4.096000e+03 : f32
      %scan3A_72 = arith.constant 0 : i32
      %scan3A_73 = arith.constant 256 : i32
      %scan3A_74 = arith.addi %scan3A_72, %scan3A_73 : i32
      %scan3A_75 = arith.constant 8 : i32
      %scan3A_76:2 = scf.for %scan3A_107 = %scan3A_72 to %scan3A_74 step %scan3A_75 iter_args(%scan3A_108 = %broadcast_in_dim3A_68, %scan3A_109 = %broadcast_in_dim3A_70) -> (vector<16xf32>, vector<16xi32>)  : i32 {
        %iota3A = tpu.iota {dimensions = array<i32: 0>} : vector<16xi32>
        %mul3A_110 = arith.constant 16 : i32
        %mul3A_111 = arith.muli %scan3A_107, %mul3A_110 : i32
        %add3A_112 = arith.constant 1 : i32
        %add3A_113 = arith.addi %mul3A_111, %add3A_112 : i32
        %add3A_114 = vector.broadcast %add3A_113 : i32 to vector<16xi32>
        %add3A_115 = arith.addi %iota3A, %add3A_114 : vector<16xi32>
        %convert_element_type3A_116 = arith.sitofp %add3A_115 : vector<16xi32> to vector<16xf32>
        %mul3A_117 = arith.constant 16 : i32
        %mul3A_118 = arith.muli %scan3A_107, %mul3A_117 : i32
        %get3A = arith.index_cast %mul3A_118 : i32 to index
        %get3A_119 = tpu.vector_load %arg8[%get3A] {strides = array<i32>} : memref<4096xf32, #tpu.memory_space<vmem>>, vector<16xf32>,
        %mul3A_120 = arith.constant 16 : i32
        %mul3A_121 = arith.muli %scan3A_107, %mul3A_120 : i32
        %get3A_122 = arith.index_cast %mul3A_121 : i32 to index
        %get3A_123 = tpu.vector_load %arg9[%get3A_122] {strides = array<i32>} : memref<4096xf32, #tpu.memory_space<vmem>>, vector<16xf32>,
        %div3A_124 = arith.divf %get3A_119, %convert_element_type3A_116 : vector<16xf32>
        %mul3A_125 = arith.mulf %convert_element_type3A_116, %div3A_124 : vector<16xf32>
        %mul3A_126 = arith.mulf %mul3A_125, %div3A_124 : vector<16xf32>
        %sub3A_127 = arith.subf %get3A_123, %mul3A_126 : vector<16xf32>
        %sub3A_128 = vector.broadcast %scan3A_71 : f32 to vector<16xf32>
        %sub3A_129 = arith.subf %sub3A_128, %convert_element_type3A_116 : vector<16xf32>
        %sub3A_130 = vector.broadcast %scan3A_65#1 : f32 to vector<16xf32>
        %sub3A_131 = arith.subf %sub3A_130, %get3A_119 : vector<16xf32>
        %div3A_132 = arith.divf %sub3A_131, %sub3A_129 : vector<16xf32>
        %sub3A_133 = vector.broadcast %scan3A_65#2 : f32 to vector<16xf32>
        %sub3A_134 = arith.subf %sub3A_133, %get3A_123 : vector<16xf32>
        %mul3A_135 = arith.mulf %sub3A_129, %div3A_132 : vector<16xf32>
        %mul3A_136 = arith.mulf %mul3A_135, %div3A_132 : vector<16xf32>
        %sub3A_137 = arith.subf %sub3A_134, %mul3A_136 : vector<16xf32>
        %lt3A = vector.broadcast %scan3A_71 : f32 to vector<16xf32>
        %lt3A_138 = arith.cmpf olt, %convert_element_type3A_116, %lt3A : vector<16xf32>
        %add3A_139 = arith.addf %sub3A_127, %sub3A_137 : vector<16xf32>
        %jit3A_140 = arith.constant 3.000000e+38 : f32
        %broadcast_in_dim3A_141 = vector.broadcast %jit3A_140 : f32 to vector<16xf32>
        %select_n3A_142 = arith.select %lt3A_138, %add3A_139, %broadcast_in_dim3A_141 : vector<16xi1>, vector<16xf32>
        %lt3A_143 = arith.cmpf olt, %select_n3A_142, %scan3A_108 : vector<16xf32>
        %select_n3A_144 = arith.select %lt3A_143, %select_n3A_142, %scan3A_108 : vector<16xi1>, vector<16xf32>
        %convert_element_type3A_145 = arith.fptosi %convert_element_type3A_116 : vector<16xf32> to vector<16xi32>
        %select_n3A_146 = arith.select %lt3A_143, %convert_element_type3A_145, %scan3A_109 : vector<16xi1>, vector<16xi32>
        %scan3A_147 = arith.constant 1 : i32
        %scan3A_148 = arith.addi %scan3A_107, %scan3A_147 : i32
        %iota3A_149 = tpu.iota {dimensions = array<i32: 0>} : vector<16xi32>
        %mul3A_150 = arith.constant 16 : i32
        %mul3A_151 = arith.muli %scan3A_148, %mul3A_150 : i32
        %add3A_152 = arith.constant 1 : i32
        %add3A_153 = arith.addi %mul3A_151, %add3A_152 : i32
        %add3A_154 = vector.broadcast %add3A_153 : i32 to vector<16xi32>
        %add3A_155 = arith.addi %iota3A_149, %add3A_154 : vector<16xi32>
        %convert_element_type3A_156 = arith.sitofp %add3A_155 : vector<16xi32> to vector<16xf32>
        %mul3A_157 = arith.constant 16 : i32
        %mul3A_158 = arith.muli %scan3A_148, %mul3A_157 : i32
        %get3A_159 = arith.index_cast %mul3A_158 : i32 to index
        %get3A_160 = tpu.vector_load %arg8[%get3A_159] {strides = array<i32>} : memref<4096xf32, #tpu.memory_space<vmem>>, vector<16xf32>,
        %mul3A_161 = arith.constant 16 : i32
        %mul3A_162 = arith.muli %scan3A_148, %mul3A_161 : i32
        %get3A_163 = arith.index_cast %mul3A_162 : i32 to index
        %get3A_164 = tpu.vector_load %arg9[%get3A_163] {strides = array<i32>} : memref<4096xf32, #tpu.memory_space<vmem>>, vector<16xf32>,
        %div3A_165 = arith.divf %get3A_160, %convert_element_type3A_156 : vector<16xf32>
        %mul3A_166 = arith.mulf %convert_element_type3A_156, %div3A_165 : vector<16xf32>
        %mul3A_167 = arith.mulf %mul3A_166, %div3A_165 : vector<16xf32>
        %sub3A_168 = arith.subf %get3A_164, %mul3A_167 : vector<16xf32>
        %sub3A_169 = vector.broadcast %scan3A_71 : f32 to vector<16xf32>
        %sub3A_170 = arith.subf %sub3A_169, %convert_element_type3A_156 : vector<16xf32>
        %sub3A_171 = vector.broadcast %scan3A_65#1 : f32 to vector<16xf32>
        %sub3A_172 = arith.subf %sub3A_171, %get3A_160 : vector<16xf32>
        %div3A_173 = arith.divf %sub3A_172, %sub3A_170 : vector<16xf32>
        %sub3A_174 = vector.broadcast %scan3A_65#2 : f32 to vector<16xf32>
        %sub3A_175 = arith.subf %sub3A_174, %get3A_164 : vector<16xf32>
        %mul3A_176 = arith.mulf %sub3A_170, %div3A_173 : vector<16xf32>
        %mul3A_177 = arith.mulf %mul3A_176, %div3A_173 : vector<16xf32>
        %sub3A_178 = arith.subf %sub3A_175, %mul3A_177 : vector<16xf32>
        %lt3A_179 = vector.broadcast %scan3A_71 : f32 to vector<16xf32>
        %lt3A_180 = arith.cmpf olt, %convert_element_type3A_156, %lt3A_179 : vector<16xf32>
        %add3A_181 = arith.addf %sub3A_168, %sub3A_178 : vector<16xf32>
        %jit3A_182 = arith.constant 3.000000e+38 : f32
        %broadcast_in_dim3A_183 = vector.broadcast %jit3A_182 : f32 to vector<16xf32>
        %select_n3A_184 = arith.select %lt3A_180, %add3A_181, %broadcast_in_dim3A_183 : vector<16xi1>, vector<16xf32>
        %lt3A_185 = arith.cmpf olt, %select_n3A_184, %select_n3A_144 : vector<16xf32>
        %select_n3A_186 = arith.select %lt3A_185, %select_n3A_184, %select_n3A_144 : vector<16xi1>, vector<16xf32>
        %convert_element_type3A_187 = arith.fptosi %convert_element_type3A_156 : vector<16xf32> to vector<16xi32>
        %select_n3A_188 = arith.select %lt3A_185, %convert_element_type3A_187, %select_n3A_146 : vector<16xi1>, vector<16xi32>
        %scan3A_189 = arith.constant 2 : i32
        %scan3A_190 = arith.addi %scan3A_107, %scan3A_189 : i32
        %iota3A_191 = tpu.iota {dimensions = array<i32: 0>} : vector<16xi32>
        %mul3A_192 = arith.constant 16 : i32
        %mul3A_193 = arith.muli %scan3A_190, %mul3A_192 : i32
        %add3A_194 = arith.constant 1 : i32
        %add3A_195 = arith.addi %mul3A_193, %add3A_194 : i32
        %add3A_196 = vector.broadcast %add3A_195 : i32 to vector<16xi32>
        %add3A_197 = arith.addi %iota3A_191, %add3A_196 : vector<16xi32>
        %convert_element_type3A_198 = arith.sitofp %add3A_197 : vector<16xi32> to vector<16xf32>
        %mul3A_199 = arith.constant 16 : i32
        %mul3A_200 = arith.muli %scan3A_190, %mul3A_199 : i32
        %get3A_201 = arith.index_cast %mul3A_200 : i32 to index
        %get3A_202 = tpu.vector_load %arg8[%get3A_201] {strides = array<i32>} : memref<4096xf32, #tpu.memory_space<vmem>>, vector<16xf32>,
        %mul3A_203 = arith.constant 16 : i32
        %mul3A_204 = arith.muli %scan3A_190, %mul3A_203 : i32
        %get3A_205 = arith.index_cast %mul3A_204 : i32 to index
        %get3A_206 = tpu.vector_load %arg9[%get3A_205] {strides = array<i32>} : memref<4096xf32, #tpu.memory_space<vmem>>, vector<16xf32>,
        %div3A_207 = arith.divf %get3A_202, %convert_element_type3A_198 : vector<16xf32>
        %mul3A_208 = arith.mulf %convert_element_type3A_198, %div3A_207 : vector<16xf32>
        %mul3A_209 = arith.mulf %mul3A_208, %div3A_207 : vector<16xf32>
        %sub3A_210 = arith.subf %get3A_206, %mul3A_209 : vector<16xf32>
        %sub3A_211 = vector.broadcast %scan3A_71 : f32 to vector<16xf32>
        %sub3A_212 = arith.subf %sub3A_211, %convert_element_type3A_198 : vector<16xf32>
        %sub3A_213 = vector.broadcast %scan3A_65#1 : f32 to vector<16xf32>
        %sub3A_214 = arith.subf %sub3A_213, %get3A_202 : vector<16xf32>
        %div3A_215 = arith.divf %sub3A_214, %sub3A_212 : vector<16xf32>
        %sub3A_216 = vector.broadcast %scan3A_65#2 : f32 to vector<16xf32>
        %sub3A_217 = arith.subf %sub3A_216, %get3A_206 : vector<16xf32>
        %mul3A_218 = arith.mulf %sub3A_212, %div3A_215 : vector<16xf32>
        %mul3A_219 = arith.mulf %mul3A_218, %div3A_215 : vector<16xf32>
        %sub3A_220 = arith.subf %sub3A_217, %mul3A_219 : vector<16xf32>
        %lt3A_221 = vector.broadcast %scan3A_71 : f32 to vector<16xf32>
        %lt3A_222 = arith.cmpf olt, %convert_element_type3A_198, %lt3A_221 : vector<16xf32>
        %add3A_223 = arith.addf %sub3A_210, %sub3A_220 : vector<16xf32>
        %jit3A_224 = arith.constant 3.000000e+38 : f32
        %broadcast_in_dim3A_225 = vector.broadcast %jit3A_224 : f32 to vector<16xf32>
        %select_n3A_226 = arith.select %lt3A_222, %add3A_223, %broadcast_in_dim3A_225 : vector<16xi1>, vector<16xf32>
        %lt3A_227 = arith.cmpf olt, %select_n3A_226, %select_n3A_186 : vector<16xf32>
        %select_n3A_228 = arith.select %lt3A_227, %select_n3A_226, %select_n3A_186 : vector<16xi1>, vector<16xf32>
        %convert_element_type3A_229 = arith.fptosi %convert_element_type3A_198 : vector<16xf32> to vector<16xi32>
        %select_n3A_230 = arith.select %lt3A_227, %convert_element_type3A_229, %select_n3A_188 : vector<16xi1>, vector<16xi32>
        %scan3A_231 = arith.constant 3 : i32
        %scan3A_232 = arith.addi %scan3A_107, %scan3A_231 : i32
        %iota3A_233 = tpu.iota {dimensions = array<i32: 0>} : vector<16xi32>
        %mul3A_234 = arith.constant 16 : i32
        %mul3A_235 = arith.muli %scan3A_232, %mul3A_234 : i32
        %add3A_236 = arith.constant 1 : i32
        %add3A_237 = arith.addi %mul3A_235, %add3A_236 : i32
        %add3A_238 = vector.broadcast %add3A_237 : i32 to vector<16xi32>
        %add3A_239 = arith.addi %iota3A_233, %add3A_238 : vector<16xi32>
        %convert_element_type3A_240 = arith.sitofp %add3A_239 : vector<16xi32> to vector<16xf32>
        %mul3A_241 = arith.constant 16 : i32
        %mul3A_242 = arith.muli %scan3A_232, %mul3A_241 : i32
        %get3A_243 = arith.index_cast %mul3A_242 : i32 to index
        %get3A_244 = tpu.vector_load %arg8[%get3A_243] {strides = array<i32>} : memref<4096xf32, #tpu.memory_space<vmem>>, vector<16xf32>,
        %mul3A_245 = arith.constant 16 : i32
        %mul3A_246 = arith.muli %scan3A_232, %mul3A_245 : i32
        %get3A_247 = arith.index_cast %mul3A_246 : i32 to index
        %get3A_248 = tpu.vector_load %arg9[%get3A_247] {strides = array<i32>} : memref<4096xf32, #tpu.memory_space<vmem>>, vector<16xf32>,
        %div3A_249 = arith.divf %get3A_244, %convert_element_type3A_240 : vector<16xf32>
        %mul3A_250 = arith.mulf %convert_element_type3A_240, %div3A_249 : vector<16xf32>
        %mul3A_251 = arith.mulf %mul3A_250, %div3A_249 : vector<16xf32>
        %sub3A_252 = arith.subf %get3A_248, %mul3A_251 : vector<16xf32>
        %sub3A_253 = vector.broadcast %scan3A_71 : f32 to vector<16xf32>
        %sub3A_254 = arith.subf %sub3A_253, %convert_element_type3A_240 : vector<16xf32>
        %sub3A_255 = vector.broadcast %scan3A_65#1 : f32 to vector<16xf32>
        %sub3A_256 = arith.subf %sub3A_255, %get3A_244 : vector<16xf32>
        %div3A_257 = arith.divf %sub3A_256, %sub3A_254 : vector<16xf32>
        %sub3A_258 = vector.broadcast %scan3A_65#2 : f32 to vector<16xf32>
        %sub3A_259 = arith.subf %sub3A_258, %get3A_248 : vector<16xf32>
        %mul3A_260 = arith.mulf %sub3A_254, %div3A_257 : vector<16xf32>
        %mul3A_261 = arith.mulf %mul3A_260, %div3A_257 : vector<16xf32>
        %sub3A_262 = arith.subf %sub3A_259, %mul3A_261 : vector<16xf32>
        %lt3A_263 = vector.broadcast %scan3A_71 : f32 to vector<16xf32>
        %lt3A_264 = arith.cmpf olt, %convert_element_type3A_240, %lt3A_263 : vector<16xf32>
        %add3A_265 = arith.addf %sub3A_252, %sub3A_262 : vector<16xf32>
        %jit3A_266 = arith.constant 3.000000e+38 : f32
        %broadcast_in_dim3A_267 = vector.broadcast %jit3A_266 : f32 to vector<16xf32>
        %select_n3A_268 = arith.select %lt3A_264, %add3A_265, %broadcast_in_dim3A_267 : vector<16xi1>, vector<16xf32>
        %lt3A_269 = arith.cmpf olt, %select_n3A_268, %select_n3A_228 : vector<16xf32>
        %select_n3A_270 = arith.select %lt3A_269, %select_n3A_268, %select_n3A_228 : vector<16xi1>, vector<16xf32>
        %convert_element_type3A_271 = arith.fptosi %convert_element_type3A_240 : vector<16xf32> to vector<16xi32>
        %select_n3A_272 = arith.select %lt3A_269, %convert_element_type3A_271, %select_n3A_230 : vector<16xi1>, vector<16xi32>
        %scan3A_273 = arith.constant 4 : i32
        %scan3A_274 = arith.addi %scan3A_107, %scan3A_273 : i32
        %iota3A_275 = tpu.iota {dimensions = array<i32: 0>} : vector<16xi32>
        %mul3A_276 = arith.constant 16 : i32
        %mul3A_277 = arith.muli %scan3A_274, %mul3A_276 : i32
        %add3A_278 = arith.constant 1 : i32
        %add3A_279 = arith.addi %mul3A_277, %add3A_278 : i32
        %add3A_280 = vector.broadcast %add3A_279 : i32 to vector<16xi32>
        %add3A_281 = arith.addi %iota3A_275, %add3A_280 : vector<16xi32>
        %convert_element_type3A_282 = arith.sitofp %add3A_281 : vector<16xi32> to vector<16xf32>
        %mul3A_283 = arith.constant 16 : i32
        %mul3A_284 = arith.muli %scan3A_274, %mul3A_283 : i32
        %get3A_285 = arith.index_cast %mul3A_284 : i32 to index
        %get3A_286 = tpu.vector_load %arg8[%get3A_285] {strides = array<i32>} : memref<4096xf32, #tpu.memory_space<vmem>>, vector<16xf32>,
        %mul3A_287 = arith.constant 16 : i32
        %mul3A_288 = arith.muli %scan3A_274, %mul3A_287 : i32
        %get3A_289 = arith.index_cast %mul3A_288 : i32 to index
        %get3A_290 = tpu.vector_load %arg9[%get3A_289] {strides = array<i32>} : memref<4096xf32, #tpu.memory_space<vmem>>, vector<16xf32>,
        %div3A_291 = arith.divf %get3A_286, %convert_element_type3A_282 : vector<16xf32>
        %mul3A_292 = arith.mulf %convert_element_type3A_282, %div3A_291 : vector<16xf32>
        %mul3A_293 = arith.mulf %mul3A_292, %div3A_291 : vector<16xf32>
        %sub3A_294 = arith.subf %get3A_290, %mul3A_293 : vector<16xf32>
        %sub3A_295 = vector.broadcast %scan3A_71 : f32 to vector<16xf32>
        %sub3A_296 = arith.subf %sub3A_295, %convert_element_type3A_282 : vector<16xf32>
        %sub3A_297 = vector.broadcast %scan3A_65#1 : f32 to vector<16xf32>
        %sub3A_298 = arith.subf %sub3A_297, %get3A_286 : vector<16xf32>
        %div3A_299 = arith.divf %sub3A_298, %sub3A_296 : vector<16xf32>
        %sub3A_300 = vector.broadcast %scan3A_65#2 : f32 to vector<16xf32>
        %sub3A_301 = arith.subf %sub3A_300, %get3A_290 : vector<16xf32>
        %mul3A_302 = arith.mulf %sub3A_296, %div3A_299 : vector<16xf32>
        %mul3A_303 = arith.mulf %mul3A_302, %div3A_299 : vector<16xf32>
        %sub3A_304 = arith.subf %sub3A_301, %mul3A_303 : vector<16xf32>
        %lt3A_305 = vector.broadcast %scan3A_71 : f32 to vector<16xf32>
        %lt3A_306 = arith.cmpf olt, %convert_element_type3A_282, %lt3A_305 : vector<16xf32>
        %add3A_307 = arith.addf %sub3A_294, %sub3A_304 : vector<16xf32>
        %jit3A_308 = arith.constant 3.000000e+38 : f32
        %broadcast_in_dim3A_309 = vector.broadcast %jit3A_308 : f32 to vector<16xf32>
        %select_n3A_310 = arith.select %lt3A_306, %add3A_307, %broadcast_in_dim3A_309 : vector<16xi1>, vector<16xf32>
        %lt3A_311 = arith.cmpf olt, %select_n3A_310, %select_n3A_270 : vector<16xf32>
        %select_n3A_312 = arith.select %lt3A_311, %select_n3A_310, %select_n3A_270 : vector<16xi1>, vector<16xf32>
        %convert_element_type3A_313 = arith.fptosi %convert_element_type3A_282 : vector<16xf32> to vector<16xi32>
        %select_n3A_314 = arith.select %lt3A_311, %convert_element_type3A_313, %select_n3A_272 : vector<16xi1>, vector<16xi32>
        %scan3A_315 = arith.constant 5 : i32
        %scan3A_316 = arith.addi %scan3A_107, %scan3A_315 : i32
        %iota3A_317 = tpu.iota {dimensions = array<i32: 0>} : vector<16xi32>
        %mul3A_318 = arith.constant 16 : i32
        %mul3A_319 = arith.muli %scan3A_316, %mul3A_318 : i32
        %add3A_320 = arith.constant 1 : i32
        %add3A_321 = arith.addi %mul3A_319, %add3A_320 : i32
        %add3A_322 = vector.broadcast %add3A_321 : i32 to vector<16xi32>
        %add3A_323 = arith.addi %iota3A_317, %add3A_322 : vector<16xi32>
        %convert_element_type3A_324 = arith.sitofp %add3A_323 : vector<16xi32> to vector<16xf32>
        %mul3A_325 = arith.constant 16 : i32
        %mul3A_326 = arith.muli %scan3A_316, %mul3A_325 : i32
        %get3A_327 = arith.index_cast %mul3A_326 : i32 to index
        %get3A_328 = tpu.vector_load %arg8[%get3A_327] {strides = array<i32>} : memref<4096xf32, #tpu.memory_space<vmem>>, vector<16xf32>,
        %mul3A_329 = arith.constant 16 : i32
        %mul3A_330 = arith.muli %scan3A_316, %mul3A_329 : i32
        %get3A_331 = arith.index_cast %mul3A_330 : i32 to index
        %get3A_332 = tpu.vector_load %arg9[%get3A_331] {strides = array<i32>} : memref<4096xf32, #tpu.memory_space<vmem>>, vector<16xf32>,
        %div3A_333 = arith.divf %get3A_328, %convert_element_type3A_324 : vector<16xf32>
        %mul3A_334 = arith.mulf %convert_element_type3A_324, %div3A_333 : vector<16xf32>
        %mul3A_335 = arith.mulf %mul3A_334, %div3A_333 : vector<16xf32>
        %sub3A_336 = arith.subf %get3A_332, %mul3A_335 : vector<16xf32>
        %sub3A_337 = vector.broadcast %scan3A_71 : f32 to vector<16xf32>
        %sub3A_338 = arith.subf %sub3A_337, %convert_element_type3A_324 : vector<16xf32>
        %sub3A_339 = vector.broadcast %scan3A_65#1 : f32 to vector<16xf32>
        %sub3A_340 = arith.subf %sub3A_339, %get3A_328 : vector<16xf32>
        %div3A_341 = arith.divf %sub3A_340, %sub3A_338 : vector<16xf32>
        %sub3A_342 = vector.broadcast %scan3A_65#2 : f32 to vector<16xf32>
        %sub3A_343 = arith.subf %sub3A_342, %get3A_332 : vector<16xf32>
        %mul3A_344 = arith.mulf %sub3A_338, %div3A_341 : vector<16xf32>
        %mul3A_345 = arith.mulf %mul3A_344, %div3A_341 : vector<16xf32>
        %sub3A_346 = arith.subf %sub3A_343, %mul3A_345 : vector<16xf32>
        %lt3A_347 = vector.broadcast %scan3A_71 : f32 to vector<16xf32>
        %lt3A_348 = arith.cmpf olt, %convert_element_type3A_324, %lt3A_347 : vector<16xf32>
        %add3A_349 = arith.addf %sub3A_336, %sub3A_346 : vector<16xf32>
        %jit3A_350 = arith.constant 3.000000e+38 : f32
        %broadcast_in_dim3A_351 = vector.broadcast %jit3A_350 : f32 to vector<16xf32>
        %select_n3A_352 = arith.select %lt3A_348, %add3A_349, %broadcast_in_dim3A_351 : vector<16xi1>, vector<16xf32>
        %lt3A_353 = arith.cmpf olt, %select_n3A_352, %select_n3A_312 : vector<16xf32>
        %select_n3A_354 = arith.select %lt3A_353, %select_n3A_352, %select_n3A_312 : vector<16xi1>, vector<16xf32>
        %convert_element_type3A_355 = arith.fptosi %convert_element_type3A_324 : vector<16xf32> to vector<16xi32>
        %select_n3A_356 = arith.select %lt3A_353, %convert_element_type3A_355, %select_n3A_314 : vector<16xi1>, vector<16xi32>
        %scan3A_357 = arith.constant 6 : i32
        %scan3A_358 = arith.addi %scan3A_107, %scan3A_357 : i32
        %iota3A_359 = tpu.iota {dimensions = array<i32: 0>} : vector<16xi32>
        %mul3A_360 = arith.constant 16 : i32
        %mul3A_361 = arith.muli %scan3A_358, %mul3A_360 : i32
        %add3A_362 = arith.constant 1 : i32
        %add3A_363 = arith.addi %mul3A_361, %add3A_362 : i32
        %add3A_364 = vector.broadcast %add3A_363 : i32 to vector<16xi32>
        %add3A_365 = arith.addi %iota3A_359, %add3A_364 : vector<16xi32>
        %convert_element_type3A_366 = arith.sitofp %add3A_365 : vector<16xi32> to vector<16xf32>
        %mul3A_367 = arith.constant 16 : i32
        %mul3A_368 = arith.muli %scan3A_358, %mul3A_367 : i32
        %get3A_369 = arith.index_cast %mul3A_368 : i32 to index
        %get3A_370 = tpu.vector_load %arg8[%get3A_369] {strides = array<i32>} : memref<4096xf32, #tpu.memory_space<vmem>>, vector<16xf32>,
        %mul3A_371 = arith.constant 16 : i32
        %mul3A_372 = arith.muli %scan3A_358, %mul3A_371 : i32
        %get3A_373 = arith.index_cast %mul3A_372 : i32 to index
        %get3A_374 = tpu.vector_load %arg9[%get3A_373] {strides = array<i32>} : memref<4096xf32, #tpu.memory_space<vmem>>, vector<16xf32>,
        %div3A_375 = arith.divf %get3A_370, %convert_element_type3A_366 : vector<16xf32>
        %mul3A_376 = arith.mulf %convert_element_type3A_366, %div3A_375 : vector<16xf32>
        %mul3A_377 = arith.mulf %mul3A_376, %div3A_375 : vector<16xf32>
        %sub3A_378 = arith.subf %get3A_374, %mul3A_377 : vector<16xf32>
        %sub3A_379 = vector.broadcast %scan3A_71 : f32 to vector<16xf32>
        %sub3A_380 = arith.subf %sub3A_379, %convert_element_type3A_366 : vector<16xf32>
        %sub3A_381 = vector.broadcast %scan3A_65#1 : f32 to vector<16xf32>
        %sub3A_382 = arith.subf %sub3A_381, %get3A_370 : vector<16xf32>
        %div3A_383 = arith.divf %sub3A_382, %sub3A_380 : vector<16xf32>
        %sub3A_384 = vector.broadcast %scan3A_65#2 : f32 to vector<16xf32>
        %sub3A_385 = arith.subf %sub3A_384, %get3A_374 : vector<16xf32>
        %mul3A_386 = arith.mulf %sub3A_380, %div3A_383 : vector<16xf32>
        %mul3A_387 = arith.mulf %mul3A_386, %div3A_383 : vector<16xf32>
        %sub3A_388 = arith.subf %sub3A_385, %mul3A_387 : vector<16xf32>
        %lt3A_389 = vector.broadcast %scan3A_71 : f32 to vector<16xf32>
        %lt3A_390 = arith.cmpf olt, %convert_element_type3A_366, %lt3A_389 : vector<16xf32>
        %add3A_391 = arith.addf %sub3A_378, %sub3A_388 : vector<16xf32>
        %jit3A_392 = arith.constant 3.000000e+38 : f32
        %broadcast_in_dim3A_393 = vector.broadcast %jit3A_392 : f32 to vector<16xf32>
        %select_n3A_394 = arith.select %lt3A_390, %add3A_391, %broadcast_in_dim3A_393 : vector<16xi1>, vector<16xf32>
        %lt3A_395 = arith.cmpf olt, %select_n3A_394, %select_n3A_354 : vector<16xf32>
        %select_n3A_396 = arith.select %lt3A_395, %select_n3A_394, %select_n3A_354 : vector<16xi1>, vector<16xf32>
        %convert_element_type3A_397 = arith.fptosi %convert_element_type3A_366 : vector<16xf32> to vector<16xi32>
        %select_n3A_398 = arith.select %lt3A_395, %convert_element_type3A_397, %select_n3A_356 : vector<16xi1>, vector<16xi32>
        %scan3A_399 = arith.constant 7 : i32
        %scan3A_400 = arith.addi %scan3A_107, %scan3A_399 : i32
        %iota3A_401 = tpu.iota {dimensions = array<i32: 0>} : vector<16xi32>
        %mul3A_402 = arith.constant 16 : i32
        %mul3A_403 = arith.muli %scan3A_400, %mul3A_402 : i32
        %add3A_404 = arith.constant 1 : i32
        %add3A_405 = arith.addi %mul3A_403, %add3A_404 : i32
        %add3A_406 = vector.broadcast %add3A_405 : i32 to vector<16xi32>
        %add3A_407 = arith.addi %iota3A_401, %add3A_406 : vector<16xi32>
        %convert_element_type3A_408 = arith.sitofp %add3A_407 : vector<16xi32> to vector<16xf32>
        %mul3A_409 = arith.constant 16 : i32
        %mul3A_410 = arith.muli %scan3A_400, %mul3A_409 : i32
        %get3A_411 = arith.index_cast %mul3A_410 : i32 to index
        %get3A_412 = tpu.vector_load %arg8[%get3A_411] {strides = array<i32>} : memref<4096xf32, #tpu.memory_space<vmem>>, vector<16xf32>,
        %mul3A_413 = arith.constant 16 : i32
        %mul3A_414 = arith.muli %scan3A_400, %mul3A_413 : i32
        %get3A_415 = arith.index_cast %mul3A_414 : i32 to index
        %get3A_416 = tpu.vector_load %arg9[%get3A_415] {strides = array<i32>} : memref<4096xf32, #tpu.memory_space<vmem>>, vector<16xf32>,
        %div3A_417 = arith.divf %get3A_412, %convert_element_type3A_408 : vector<16xf32>
        %mul3A_418 = arith.mulf %convert_element_type3A_408, %div3A_417 : vector<16xf32>
        %mul3A_419 = arith.mulf %mul3A_418, %div3A_417 : vector<16xf32>
        %sub3A_420 = arith.subf %get3A_416, %mul3A_419 : vector<16xf32>
        %sub3A_421 = vector.broadcast %scan3A_71 : f32 to vector<16xf32>
        %sub3A_422 = arith.subf %sub3A_421, %convert_element_type3A_408 : vector<16xf32>
        %sub3A_423 = vector.broadcast %scan3A_65#1 : f32 to vector<16xf32>
        %sub3A_424 = arith.subf %sub3A_423, %get3A_412 : vector<16xf32>
        %div3A_425 = arith.divf %sub3A_424, %sub3A_422 : vector<16xf32>
        %sub3A_426 = vector.broadcast %scan3A_65#2 : f32 to vector<16xf32>
        %sub3A_427 = arith.subf %sub3A_426, %get3A_416 : vector<16xf32>
        %mul3A_428 = arith.mulf %sub3A_422, %div3A_425 : vector<16xf32>
        %mul3A_429 = arith.mulf %mul3A_428, %div3A_425 : vector<16xf32>
        %sub3A_430 = arith.subf %sub3A_427, %mul3A_429 : vector<16xf32>
        %lt3A_431 = vector.broadcast %scan3A_71 : f32 to vector<16xf32>
        %lt3A_432 = arith.cmpf olt, %convert_element_type3A_408, %lt3A_431 : vector<16xf32>
        %add3A_433 = arith.addf %sub3A_420, %sub3A_430 : vector<16xf32>
        %jit3A_434 = arith.constant 3.000000e+38 : f32
        %broadcast_in_dim3A_435 = vector.broadcast %jit3A_434 : f32 to vector<16xf32>
        %select_n3A_436 = arith.select %lt3A_432, %add3A_433, %broadcast_in_dim3A_435 : vector<16xi1>, vector<16xf32>
        %lt3A_437 = arith.cmpf olt, %select_n3A_436, %select_n3A_396 : vector<16xf32>
        %select_n3A_438 = arith.select %lt3A_437, %select_n3A_436, %select_n3A_396 : vector<16xi1>, vector<16xf32>
        %convert_element_type3A_439 = arith.fptosi %convert_element_type3A_408 : vector<16xf32> to vector<16xi32>
        %select_n3A_440 = arith.select %lt3A_437, %convert_element_type3A_439, %select_n3A_398 : vector<16xi1>, vector<16xi32>
        scf.yield %select_n3A_438, %select_n3A_440 : vector<16xf32>, vector<16xi32>
      }
      %scan3A_77 = arith.constant 256 : i32
      %reduce_min3A_78 = arith.constant true
      %reduce_min3A_79 = vector.broadcast %reduce_min3A_78 : i1 to vector<16xi1>
      %reduce_min3A_80 = tpu.scan <min>, %scan3A_76#0 masked %reduce_min3A_79 : vector<16xf32>, vector<16xi1> -> vector<16xf32>
      %reduce_min3A_81 = vector.extract %reduce_min3A_80[15] : f32 from vector<16xf32>
      %eq3A_82 = vector.broadcast %reduce_min3A_81 : f32 to vector<16xf32>
      %eq3A_83 = arith.cmpf oeq, %scan3A_76#0, %eq3A_82 : vector<16xf32>
      %jit3A = arith.constant 1073741824 : i32
      %broadcast_in_dim3A_84 = vector.broadcast %jit3A : i32 to vector<16xi32>
      %select_n3A = arith.select %eq3A_83, %scan3A_76#1, %broadcast_in_dim3A_84 : vector<16xi1>, vector<16xi32>
      %reduce_min3A_85 = arith.constant true
      %reduce_min3A_86 = vector.broadcast %reduce_min3A_85 : i1 to vector<16xi1>
      %reduce_min3A_87 = arith.constant -2147483648 : i32
      %reduce_min3A_88 = vector.broadcast %reduce_min3A_87 : i32 to vector<16xi32>
      %reduce_min3A_89 = arith.xori %select_n3A, %reduce_min3A_88 : vector<16xi32>
      %reduce_min3A_90 = tpu.scan <min>, %reduce_min3A_89 masked %reduce_min3A_86 : vector<16xi32>, vector<16xi1> -> vector<16xi32>
      %reduce_min3A_91 = arith.xori %reduce_min3A_90, %reduce_min3A_88 : vector<16xi32>
      %reduce_min3A_92 = vector.extract %reduce_min3A_91[15] : i32 from vector<16xi32>
      %sub3A_93 = arith.constant 1 : i32
      %sub3A_94 = arith.subi %reduce_min3A_92, %sub3A_93 : i32
      %broadcast_in_dim3A_95 = vector.broadcast %sub3A_94 : i32 to vector<16xi32>
      %gather3A = tpu.vector_load_idx %arg8[%broadcast_in_dim3A_95] : memref<4096xf32, #tpu.memory_space<vmem>>[vector<16xi32>], vector<16xf32>,
      %broadcast_in_dim3A_96 = vector.broadcast %reduce_sum3A_50 : f32 to vector<16xf32>
      %broadcast_in_dim3A_97 = vector.broadcast %reduce_min3A_92 : i32 to vector<16xi32>
      %convert_element_type3A_98 = arith.sitofp %broadcast_in_dim3A_97 : vector<16xi32> to vector<16xf32>
      %div3A_99 = arith.divf %gather3A, %convert_element_type3A_98 : vector<16xf32>
      %broadcast_in_dim3A_100 = vector.broadcast %reduce_min3A_81 : f32 to vector<16xf32>
      %div3A_101 = arith.divf %broadcast_in_dim3A_100, %broadcast_in_dim3A_96 : vector<16xf32>
      %mul3A_102 = arith.constant 1.000000e-01 : f32
      %mul3A_103 = vector.broadcast %mul3A_102 : f32 to vector<16xf32>
      %mul3A_104 = arith.mulf %mul3A_103, %div3A_101 : vector<16xf32>
      %add3A_105 = arith.addf %div3A_99, %mul3A_104 : vector<16xf32>
      %swap3A = arith.constant 0 : index
      %swap3A_106 = tpu.vector_load %arg10[%swap3A] {strides = array<i32>} : memref<16xf32, #tpu.memory_space<vmem>>, vector<16xf32>,
      tpu.vector_store %arg10[%swap3A], %add3A_105 {strides = array<i32>} : memref<16xf32, #tpu.memory_space<vmem>>, vector<16xf32>,
      "tpu.region"() ({
        %run_scoped3A = tpu.sem_alloc : memref<!tpu.dma_semaphore, #tpu.memory_space<semaphore_mem>>
        tpu.enqueue_dma source(%arg10 : memref<16xf32, #tpu.memory_space<vmem>>) target(%arg3 : memref<16xf32, #tpu.memory_space<hbm>>) target_semaphore(%run_scoped3A : memref<!tpu.dma_semaphore, #tpu.memory_space<semaphore_mem>>)
        tpu.wait_dma2 semaphore(%run_scoped3A : memref<!tpu.dma_semaphore, #tpu.memory_space<semaphore_mem>>) src(%arg10 : memref<16xf32, #tpu.memory_space<vmem>>) dst(%arg3 : memref<16xf32, #tpu.memory_space<hbm>>)
        tpu.yield
      }) : () -> ()
    } else {
    }
    return
  }
}

module attributes {stable_mosaic.version = 14 : i64} {
  func.func @_row_err_body(%arg0: i32, %arg1: memref<256x4096xf32, #tpu.memory_space<vmem>>, %arg2: memref<256x4096xf32, #tpu.memory_space<vmem>>, %arg3: memref<1x1x256xf32, #tpu.memory_space<vmem>>) attributes {dimension_semantics = [#tpu.dimension_semantics<arbitrary>], iteration_bounds = array<i64: 16>, scalar_prefetch = 0 : i64, scratch_operands = 0 : i64, tpu.core_type = #tpu.core_type<tc>, window_params = [{transform_indices = @transform_0, window_bounds = array<i64: 256, 4096>}, {transform_indices = @transform_1, window_bounds = array<i64: 256, 4096>}, {transform_indices = @transform_2, window_bounds = array<i64: 1, 1, 256>}]} {
    %get3A = arith.constant 0 : index
    %get3A_0 = arith.constant 0 : index
    %get3A_1 = vector.load %arg1[%get3A, %get3A_0] : memref<256x4096xf32, #tpu.memory_space<vmem>>, vector<256x4096xf32>
    %get3A_2 = arith.constant 0 : index
    %get3A_3 = arith.constant 0 : index
    %get3A_4 = vector.load %arg2[%get3A_2, %get3A_3] : memref<256x4096xf32, #tpu.memory_space<vmem>>, vector<256x4096xf32>
    %sub3A = arith.subf %get3A_1, %get3A_4 : vector<256x4096xf32>
    %mul3A = arith.mulf %sub3A, %sub3A : vector<256x4096xf32>
    %reduce_sum3A = arith.constant dense<0.000000e+00> : vector<256xf32>
    %reduce_sum3A_5 = vector.multi_reduction <add>, %mul3A, %reduce_sum3A [1] : vector<256x4096xf32> to vector<256xf32>
    %broadcast_in_dim3A = vector.shape_cast %reduce_sum3A_5 : vector<256xf32> to vector<1x1x256xf32>
    %swap3A = arith.constant 0 : index
    %swap3A_6 = arith.constant 0 : index
    %swap3A_7 = arith.constant 0 : index
    %swap3A_8 = vector.load %arg3[%swap3A, %swap3A_6, %swap3A_7] : memref<1x1x256xf32, #tpu.memory_space<vmem>>, vector<1x1x256xf32>
    tpu.vector_store %arg3[%swap3A, %swap3A_6, %swap3A_7], %broadcast_in_dim3A {strides = array<i32>} : memref<1x1x256xf32, #tpu.memory_space<vmem>>, vector<1x1x256xf32>,
    return
  }
  func.func @transform_0(%arg0: i32) -> (i32, i32) {
    %c0_i32 = arith.constant 0 : i32
    %c0_i32_0 = arith.constant 0 : i32
    return %arg0, %c0_i32 : i32, i32
  }
  func.func @transform_1(%arg0: i32) -> (i32, i32) {
    %c0_i32 = arith.constant 0 : i32
    %c0_i32_0 = arith.constant 0 : i32
    return %arg0, %c0_i32 : i32, i32
  }
  func.func @transform_2(%arg0: i32) -> (i32, i32, i32) {
    %c0_i32 = arith.constant 0 : i32
    %c0_i32_0 = arith.constant 0 : i32
    %c0_i32_1 = arith.constant 0 : i32
    return %arg0, %c0_i32, %c0_i32_0 : i32, i32, i32
  }
}

</mosaic_0001>

<sc_bundles>
// kernel: kernel.4.cloned.1.call-start
scs
__scs_entry_jumppad:
0x0: {  	(pc) =	sbr.rel $0x88, $3  }
0x1: {  	(tag) =	ssettag $0x0;
	lr =	simm.s32 $0x1  }
0x2: {  	[smem:$0x3F9F] =	sst lr;
	_ =	strace $0xD0000000  }
0x3: {  	_ = 	snop  }
0x4: {  	_ = 	snop  }
0x5: {  	_ = 	snop  }
0x6: {  	_ = 	snop  }
0x7: {  	_ = 	snop  }
__scs_overlays_trampoline_lowered:
0x8: {  	[smem:$0x3FAE] =	sst s0  }
0x9: {  	[smem:$0x3FAF] =	sst s1  }
0xa: {  	[smem:$0x3FB0] =	sst s2  }
0xb: {  	[smem:$0x3FB1] =	sst s3  }
0xc: {  	[smem:$0x3FB2] =	sst s4  }
0xd: {  	[smem:$0x3FB3] =	sst s5  }
0xe: {  	[smem:$0x3FB4] =	sst s6  }
0xf: {  	[smem:$0x3FB5] =	sst s7  }
0x10: {  	[smem:$0x3FB6] =	sst s8  }
0x11: {  	[smem:$0x3FB7] =	sst s9;
	s0 =	simm.s32 @!p0 $0x0  }
0x12: {  	s1 =	sld [smem:$0x3F9D];
	s0 =	simm.s32 @p0 $0x1  }
0x13: {  	[smem:$0x3FB8] =	sst s0;
	s0 =	simm.s32 @!p1 $0x0  }
0x14: {  	s2 =	sld [smem:$0x3F9C];
	s0 =	simm.s32 @p1 $0x1  }
0x15: {  	[smem:$0x3FB9] =	sst s0;
	s0 =	simm.s32 @!p2 $0x0  }
0x16: {  	s3 =	sld [smem:$0x3FDB];
	s0 =	simm.s32 @p2 $0x1  }
0x17: {  	s4 =	simm.s32 $0x1BF5;
	[smem:$0x3FBB] =	sst s0  }
0x18: {  	s0 =	sld [smem:$0x3F9E];
	_ =	swait.ge [sflag:s4], $0x0  }
0x19: {  	s7 =	sld [smem:$0x3F9F]  }
0x1a: {  	s8 =	sadd.s32 $0xFFFFE003, lr  }
0x1b: {  	s9 =	sadd.s32 $0xFFFFFEF7, lr;
	s5 =	simm.s32 $0xFFFFFFFF;
	p2 =	slt.u32 s8, $0xFFFFF086  }
0x1c: {  	p1 =	slt.u32 s9, $0xF7A;
	s5 =	simm.s32 @!p2 $0x0  }
0x1d: {  	s5 =	simm.s32 @p1 $0x1;
	p0 =	seq.s32 s7, s2  }
0x1e: {  	s7 =	smul.u32 @!p0 $0xF7A, s2;
	p2 =	seq.s32 @!p0 s5, $0x0  }
0x1f: {  	s9 =	smul.u32 $0xF7A, s1;
	s8 =	simm.s32 @!p0 $0x1BF5;
	p2 =	por !p2, p0  }
0x20: {  	[sflag:s8] =	ssyncset.s32 @!p0 $0xFFFFF086;
	s6 =	sadd.s32 @!p0 s3, s7;
	s7 =	simm.s32 @!p0 $0x108  }
0x21: {  	s3 =	sadd.s32 s3, s9;
	s6 =	sadd.s32 @!p0 $0x88, s6;
	s7 =	simm.s32 @p2 $0x1082  }
0x22: {  	[simem:s7], [sflag:s8] =	dma.local @!p0 [hbm:s6], $0xF7A  }
0x23: {  	s9 =	sor.u32 $0xD0000000, s2;
	s6 =	simm.s32 $0x108;
	_ =	swait.ge @!p0 [sflag:s8], $0x0  }
0x24: {  	s3 =	sadd.s32 $0x88, s3;
	s6 =	simm.s32 @!p1 $0x1082;
	[sflag:s4] =	ssyncset.s32 $0xFFFFF086  }
0x25: {  	[simem:s6], [sflag:s4] =	dma.local [hbm:s3], $0xF7A  }
0x26: {  	[smem:$0x3F9F] =	sst s1;
	(tag) =	ssettag s2;
	_ =	strace s9  }
0x27: {  	s1 =	sld [smem:$0x3FAF]  }
0x28: {  	s2 =	sld [smem:$0x3FB0]  }
0x29: {  	s4 =	sld [smem:$0x3FB2]  }
0x2a: {  	p0 =	seq.s32 s5, $0x0;
	s5 =	sld [smem:$0x3FB3]  }
0x2b: {  	s6 =	sld [smem:$0x3FB4]  }
0x2c: {  	s7 =	sld [smem:$0x3FB5]  }
0x2d: {  	s3 =	simm.s32 $0x108;
	s8 =	sld [smem:$0x3FB6]  }
0x2e: {  	s3 =	simm.s32 @!p0 $0x1082;
	s9 =	sld [smem:$0x3FB7]  }
0x2f: {  	lr =	sadd.s32 s0, s3;
	s0 =	sld [smem:$0x3FAE]  }
0x30: {  	s3 =	sld [smem:$0x3FB1]  }
0x31: {  	[smem:$0x3FBA] =	sst s10  }
0x32: {  	s10 =	sld [smem:$0x3FB8];
	_ =	sdelay $0x3  }
0x33: {  	p0 =	seq.s32 s10, $0x1;
	s10 =	sld [smem:$0x3FBA];
	_ =	sdelay $0x3  }
0x34: {  	[smem:$0x3FBA] =	sst s10  }
0x35: {  	s10 =	sld [smem:$0x3FB9];
	_ =	sdelay $0x3  }
0x36: {  	p1 =	seq.s32 s10, $0x1;
	s10 =	sld [smem:$0x3FBA];
	_ =	sdelay $0x3  }
0x37: {  	[smem:$0x3FBA] =	sst s10  }
0x38: {  	s10 =	sld [smem:$0x3FBB]  }
0x39: {  	_ = 	snop;
	(pc) =	sbr.ind lr, $3  }
0x3a: {  	_ = 	snop  }
0x3b: {  	_ = 	snop  }
0x3c: {  	p2 =	seq.s32 s10, $0x1;
	s10 =	sld [smem:$0x3FBA]  }
0x3d: {  	_ =	shalt  }
0x3e: {  	_ =	shalt  }
0x3f: {  	_ =	shalt  }
0x40: {  	_ =	shalt  }
0x41: {  	_ =	shalt  }
0x42: {  	_ =	shalt  }
0x43: {  	_ =	shalt  }
0x44: {  	_ =	shalt  }
0x45: {  	_ =	shalt  }
0x46: {  	_ =	shalt  }
0x47: {  	_ =	shalt  }
0x48: {  	_ =	shalt  }
0x49: {  	_ =	shalt  }
0x4a: {  	_ =	shalt  }
0x4b: {  	_ =	shalt  }
0x4c: {  	_ =	shalt  }
0x4d: {  	_ =	shalt  }
0x4e: {  	_ =	shalt  }
0x4f: {  	_ =	shalt  }
0x50: {  	_ =	shalt  }
0x51: {  	_ =	shalt  }
0x52: {  	_ =	shalt  }
0x53: {  	_ =	shalt  }
0x54: {  	_ =	shalt  }
0x55: {  	_ =	shalt  }
0x56: {  	_ =	shalt  }
0x57: {  	_ =	shalt  }
0x58: {  	_ =	shalt  }
0x59: {  	_ =	shalt  }
0x5a: {  	_ =	shalt  }
0x5b: {  	_ =	shalt  }
0x5c: {  	_ =	shalt  }
0x5d: {  	_ =	shalt  }
0x5e: {  	_ =	shalt  }
0x5f: {  	_ =	shalt  }
0x60: {  	_ =	shalt  }
0x61: {  	_ =	shalt  }
0x62: {  	_ =	shalt  }
0x63: {  	_ =	shalt  }
0x64: {  	_ =	shalt  }
0x65: {  	_ =	shalt  }
0x66: {  	_ =	shalt  }
0x67: {  	_ =	shalt  }
0x68: {  	_ =	shalt  }
0x69: {  	_ =	shalt  }
0x6a: {  	_ =	shalt  }
0x6b: {  	_ =	shalt  }
0x6c: {  	_ =	shalt  }
0x6d: {  	_ =	shalt  }
0x6e: {  	_ =	shalt  }
0x6f: {  	_ =	shalt  }
0x70: {  	_ =	shalt  }
0x71: {  	_ =	shalt  }
0x72: {  	_ =	shalt  }
0x73: {  	_ =	shalt  }
0x74: {  	_ =	shalt  }
0x75: {  	_ =	shalt  }
0x76: {  	_ =	shalt  }
0x77: {  	_ =	shalt  }
0x78: {  	_ =	shalt  }
0x79: {  	_ =	shalt  }
0x7a: {  	_ =	shalt  }
0x7b: {  	_ =	shalt  }
0x7c: {  	_ =	shalt  }
0x7d: {  	_ =	shalt  }
0x7e: {  	_ =	shalt  }
0x7f: {  	_ =	shalt  }
0x80: {  	_ =	shalt  }
0x81: {  	_ =	shalt  }
0x82: {  	_ =	shalt  }
0x83: {  	_ =	shalt  }
0x84: {  	_ =	shalt  }
0x85: {  	_ =	shalt  }
0x86: {  	_ =	shalt  }
0x87: {  	_ =	shalt  }
.Lfunc_end0:
.L_simem_size_0:
called_computation_lowered:
.L_overlay_start_0:
0x88: {  	s2 =	sld [smem:$0x3FD9]  }
0x89: {  	s3 =	sld [smem:$0x3FFE];
	_ =	sdelay $0x1  }
0x8a: {  	s1 =	srdreg.scid  }
0x8b: {  	s0 =	sand.u32 $0x1, s1  }
0x8c: {  	s17 =	sshll.u32 s0, $0xA;
	s2 =	sadd.s32 s3, s2  }
0x8d: {  	s2 =	sadd.s32 s2, s17  }
0x8e: {  	[smem:$0x3FC6] =	sst s2  }
0x8f: {  	_ = 	snop  }
0x90: {  	s2 =	sld [smem:$0x3FD0];
	(tm) =	ssettm $0x1  }
0x91: {  	s18 =	sld [smem:$0x3FFB];
	_ =	sdelay $0x3  }
0x92: {  	_ =	strace s18  }
0x93: {  	s3 =	sld [smem:$0x3FFC];
	_ =	sdelay $0x3  }
0x94: {  	_ =	strace s3  }
0x95: {  	s3 =	sld [smem:$0x3FFD];
	_ =	sdelay $0x3  }
0x96: {  	_ =	strace s3  }
0x97: {  	_ =	strace $0x8FFFFFFF  }
0x98: {  	s19 =	sld [smem:$0x3FDB];
	_ =	sdelay $0x1  }
0x99: {  	s4 =	simm.s32 $_scs_section_size  }
0x9a: {  	s5 =	simm.s32 $_size__tile_overlayer_lowered;
	s6 =	simm.s32 $_tile_overlayer_lowered  }
0x9b: {  	s22 =	simm.s32 $0x1BFF;
	s21 =	sshll.u32 s6, $0x1;
	s3 =	sadd.s32 s4, s19  }
0x9c: {  	s7 =	simm.s32 $0x0;
	s20 =	sshll.u32 s5, $0x1;
	s5 =	sadd.s32 s21, s3  }
0x9d: {  	[timem:s7], [sflag:s22] =	dma.local [hbm:s5], s20  }
0x9e: {  	_ =	swait.ge [sflag:s22], s20  }
0x9f: {  	s4 =	ssub.s32 $0x0, s20;
	[sflag:s22] =	ssyncset.done $0x0  }
0xa0: {  	[sflag:s22] =	ssyncadd.s32 s4;
	_ =	sdelay $0x1  }
0xa1: {  	s23 =	simm.s32 $0x1B8B  }
0xa2: {  	_ =	swait.ge [sflag:s23], $0x1  }
0xa3: {  	[sflag:s23] =	ssyncset.done $0x0  }
0xa4: {  	s25 =	simm.s32 $0x1B8E;
	s24 =	sld [smem:$0x3FFE];
	[sflag:s23] =	ssyncadd.s32 $0xFFFFFFFF  }
0xa5: {  	s26 =	simm.s32 $execute0_lowered;
	[smem:$0x3FD2] =	sst s25  }
0xa6: {  	s5 =	sshll.u32 s26, $0x1;
	_ =	strace $0x80000046;
	[dreg:$0x1] =	wrdreg $0xFFFFFFFF  }
0xa7: {  	s28 =	simm.s32 $_size_execute0_lowered;
	s3 =	sadd.s32 s3, s5;
	[dreg:$0x0] =	wrdreg $0x0  }
0xa8: {  	s5 =	sshll.u32 s28, $0x1;
	[dreg:$0x2] =	wrdreg s3  }
0xa9: {  	[dreg:$0x3] =	wrdreg s5  }
0xaa: {  	[dreg:$0x4] =	wrdreg $0xC0  }
0xab: {  	_ =	task [dreg:s7], $0x5FFFF  }
0xac: {  	[dreg:$0x1] =	wrdreg $0xFFFFFFFF  }
0xad: {  	[dreg:$0x0] =	wrdreg $0x60  }
0xae: {  	[dreg:$0x2] =	wrdreg s24  }
0xaf: {  	[dreg:$0x3] =	wrdreg s2  }
0xb0: {  	[dreg:$0x4] =	wrdreg $0x9  }
0xb1: {  	_ =	task.clear_ibuf [dreg:s7], $0x5FFFF;
	_ =	strace $0x90000046  }
0xb2: {  	s29 =	simm.s32 $0x9;
	_ =	strace $0x80000048  }
0xb3: {  	_ =	swait.ge [sflag:s29], $0x1  }
0xb4: {  	[sflag:s29] =	ssyncadd.s32 $0xFFFFFFFF  }
0xb5: {  	_ =	strace $0x90000048  }
0xb6: {  	_ =	sfence  }
0xb7: {  	s30 =	sld [smem:$0x0];
	_ =	sdelay $0x2  }
0xb8: {  	s31 =	sshll.u32 s1, $0xD;
	s1 =	sshrl.u32 s1, $0x2  }
0xb9: {  	s3 =	sand.u32 $0x4000, s31;
	s1 =	sadd.s32 s1, s30  }
0xba: {  	s0 =	sor.u32 s3, s0;
	s1 =	sshll.u32 s1, $0x11  }
0xbb: {  	s0 =	sor.u32 s1, s0  }
0xbc: {  	s0 =	sadd.s32 $0x8F2B, s0  }
0xbd: {  	[sflag:s0] =	ssyncadd.remote.s32 $0x1  }
0xbe: {  	_ =	sfence.sel $0xFFFF  }
0xbf: {  	[dreg:$0x0] =	wrdreg $0xFFFFFFFF;
	(pc) =	sbr.abs _section_cstart, $3  }
0xc0: {  	[dreg:$0x1] =	wrdreg $0xFFFFFFFF  }
0xc1: {  	_ =	task.clear_ibuf [dreg:s7], $0x2FFFF;
	_ =	strace $0x9FFFFFFF  }
0xc2: {  	(tm) =	ssettm $0x7FFFFFFF  }
0xc3: {  	_ =	shalt  }
tec
execute0_lowered:
.L_overlay_start_1:
0x0: {  	(tag) =	ssettag $0x1  }
0x1: {  	s3 =	rddreg [dreg:$0x0]  }
0x2: {  	s1 =	rddreg [dreg:$0x1]  }
0x3: {  	s0 =	rddreg [dreg:$0x2];
	_ =	strace $0x80000047;
	v0 =	vimm.f32 $4.096000000e+03  }
0x4: {  	(erf) = vrcp.f32 v0  }
0x5: {  	s2 =	srdreg.scid  }
0x6: {  	s4 =	sand.u32 $0x1, s2;
	s2 =	stileid.u32  }
0x7: {  	s5 =	sshll.u32 s2, $0x1;
	s6 =	ssub.s32 $0x0, s4  }
0x8: {  	p0 =	sne.s32 s5, s6  }
.Ltmp0:
0x9: {  	_ = 	snop;
	(pc) =	sbr.rel @p0 .LBB2_13-.Ltmp0, $2  }
0xa: {  	_ =	sdelay $0x2  }
0xb: {  	v0 =	vpop (erf)  }
0xc: {  	s4 =	ssub.s32 $0x2, s4  }
0xd: {  	s3 =	sadd.s32 $0x600, s3;
	s6 =	simm.s32 $0x1;
	s7 =	simm.s32 $0x1000  }
0xe: {  	s8 =	simm.s32 $0x2000;
	s9 =	simm.s32 $0x3000;
	s5 =	sshrl.u32 s4, $0x1  }
0xf: {  	s10 =	simm.s32 $0x4000;
	s11 =	simm.s32 $0x6000;
	s4 =	ssub.s32 s4, s5  }
0x10: {  	v1 =	vimm.f32 $0.0e+00;
	v2 =	vimm.f32 $1.000000000e+00;
	v3 =	vlaneseq.u32;
	s12 =	simm.s32 $0x0;
	s5 =	simm.s32 $0x0;
	s4 =	smax.u32 s4, $0x1  }
.LBB2_2:
0x11: {  	[tilespmem:s5], [sflag:$0x1] =	stream.linear.gather [hbm4b:s3+s5], $0x1000, $0x38;
	[tilespmem:$0x6080] =	vst v63  }
0x12: {  	_ =	swait.ge [sflag:s6], $0x1000  }
0x13: {  	[sflag:s6] =	ssyncset.done $0x0  }
0x14: {  	s13 =	simm.s32 $0x1040;
	[sflag:s6] =	ssyncadd.s32 $0xFFFFF000  }
0x15: {  	s14 =	simm.s32 $0x2040;
	[tilespmem:s13+$0xFFFFFFC0] =	vst v1  }
0x16: {  	s15 =	simm.s32 $0x3040;
	[tilespmem:s14+$0xFFFFFFC0] =	vst v1  }
0x17: {  	s16 =	simm.s32 $0x40;
	[tilespmem:s15+$0xFFFFFFC0] =	vst v1  }
0x18: {  	v4 =	vld [tilespmem:s16+$0xFFFFFFC0];
	[tilespmem:s13+$0xFFFFFFD0] =	vst v1  }
0x19: {  	[tilespmem:s14+$0xFFFFFFD0] =	vst v1  }
0x1a: {  	[tilespmem:s15+$0xFFFFFFD0] =	vst v1  }
0x1b: {  	v5 =	vld [tilespmem:s16+$0xFFFFFFD0];
	[tilespmem:s13+$0xFFFFFFE0] =	vst v1  }
0x1c: {  	[tilespmem:s14+$0xFFFFFFE0] =	vst v1  }
0x1d: {  	[tilespmem:s15+$0xFFFFFFE0] =	vst v1  }
0x1e: {  	v6 =	vld [tilespmem:s16+$0xFFFFFFE0];
	[tilespmem:s13+$0xFFFFFFF0] =	vst v1  }
0x1f: {  	[tilespmem:s14+$0xFFFFFFF0] =	vst v1  }
0x20: {  	[tilespmem:s15+$0xFFFFFFF0] =	vst v1  }
0x21: {  	v7 =	vld [tilespmem:s16+$0xFFFFFFF0];
	[tilespmem:s13+$0x0] =	vst v1  }
0x22: {  	[tilespmem:s14+$0x0] =	vst v1  }
0x23: {  	[tilespmem:s15+$0x0] =	vst v1  }
0x24: {  	v9 =	vadd.f32 v4, v1;
	v8 =	vld [tilespmem:s16+$0x0];
	[tilespmem:s13+$0x10] =	vst v1  }
0x25: {  	[tilespmem:s14+$0x10] =	vst v1  }
0x26: {  	v9 =	vadd.f32 v5, v9;
	[tilespmem:s15+$0x10] =	vst v1  }
0x27: {  	v10 =	vld [tilespmem:s16+$0x10];
	[tilespmem:s13+$0x20] =	vst v1  }
0x28: {  	v9 =	vadd.f32 v6, v9;
	[tilespmem:s14+$0x20] =	vst v1  }
0x29: {  	[tilespmem:s15+$0x20] =	vst v1  }
0x2a: {  	v12 =	vimm.f32 $3.000000010e+38;
	v13 =	vimm.f32 $-3.000000010e+38;
	v9 =	vadd.f32 v7, v9;
	v11 =	vld [tilespmem:s16+$0x20];
	[tilespmem:s13+$0x30] =	vst v1  }
0x2b: {  	v12 =	vmin.f32 v12, v4;
	v4 =	vmax.f32 v13, v4;
	[tilespmem:s14+$0x30] =	vst v1  }
0x2c: {  	v12 =	vmin.f32 v12, v5;
	v4 =	vmax.f32 v4, v5;
	v9 =	vadd.f32 v8, v9;
	[tilespmem:s15+$0x30] =	vst v1  }
0x2d: {  	v12 =	vmin.f32 v12, v6;
	v4 =	vmax.f32 v4, v6;
	s13 =	simm.s32 $0x10C0;
	v5 =	vld [tilespmem:s16+$0x30]  }
0x2e: {  	v6 =	vmin.f32 v12, v7;
	v4 =	vmax.f32 v4, v7;
	s14 =	simm.s32 $0x20C0;
	v7 =	vadd.f32 v10, v9;
	[tilespmem:s13+$0xFFFFFFC0] =	vst v1  }
0x2f: {  	v6 =	vmin.f32 v6, v8;
	v4 =	vmax.f32 v4, v8;
	s15 =	simm.s32 $0x30C0;
	[tilespmem:s14+$0xFFFFFFC0] =	vst v1  }
0x30: {  	v8 =	vmin.f32 v6, v10;
	v9 =	vmax.f32 v4, v10;
	s16 =	simm.s32 $0xC0;
	[tilespmem:s15+$0xFFFFFFC0] =	vst v1;
	v6 =	vadd.f32 v11, v7  }
0x31: {  	s17 =	simm.s32 $0x8;
	v8 =	vmin.f32 v8, v11;
	v7 =	vmax.f32 v9, v11;
	v4 =	vld [tilespmem:s16+$0xFFFFFFC0]  }
.LBB2_3:
0x32: {  	s17 =	sadd.s32 $0x8, s17;
	[tilespmem:s13+$0xFFFFFFD0] =	vst v1;
	v8 =	vmin.f32 v8, v5;
	v7 =	vmax.f32 v7, v5;
	v5 =	vadd.f32 v5, v6  }
0x33: {  	p0 =	slt.u32 s17, $0xF8;
	[tilespmem:s14+$0xFFFFFFD0] =	vst v1  }
0x34: {  	[tilespmem:s15+$0xFFFFFFD0] =	vst v1  }
0x35: {  	v6 =	vld [tilespmem:s16+$0xFFFFFFD0]  }
0x36: {  	[tilespmem:s13+$0xFFFFFFE0] =	vst v1  }
0x37: {  	[tilespmem:s14+$0xFFFFFFE0] =	vst v1  }
0x38: {  	[tilespmem:s15+$0xFFFFFFE0] =	vst v1  }
0x39: {  	v9 =	vld [tilespmem:s16+$0xFFFFFFE0]  }
0x3a: {  	[tilespmem:s13+$0xFFFFFFF0] =	vst v1  }
0x3b: {  	[tilespmem:s14+$0xFFFFFFF0] =	vst v1  }
0x3c: {  	[tilespmem:s15+$0xFFFFFFF0] =	vst v1  }
0x3d: {  	v10 =	vld [tilespmem:s16+$0xFFFFFFF0]  }
0x3e: {  	[tilespmem:s13+$0x0] =	vst v1  }
0x3f: {  	[tilespmem:s14+$0x0] =	vst v1  }
0x40: {  	[tilespmem:s15+$0x0] =	vst v1  }
0x41: {  	v11 =	vld [tilespmem:s16+$0x0]  }
0x42: {  	[tilespmem:s13+$0x10] =	vst v1  }
0x43: {  	[tilespmem:s14+$0x10] =	vst v1  }
0x44: {  	v5 =	vadd.f32 v4, v5;
	[tilespmem:s15+$0x10] =	vst v1  }
0x45: {  	v12 =	vld [tilespmem:s16+$0x10]  }
0x46: {  	v5 =	vadd.f32 v6, v5;
	[tilespmem:s13+$0x20] =	vst v1  }
0x47: {  	[tilespmem:s14+$0x20] =	vst v1  }
0x48: {  	v5 =	vadd.f32 v9, v5;
	[tilespmem:s15+$0x20] =	vst v1  }
0x49: {  	v13 =	vld [tilespmem:s16+$0x20]  }
0x4a: {  	v5 =	vadd.f32 v10, v5;
	[tilespmem:s13+$0x30] =	vst v1  }
0x4b: {  	v8 =	vmin.f32 v8, v4;
	v4 =	vmax.f32 v7, v4;
	[tilespmem:s14+$0x30] =	vst v1  }
0x4c: {  	v7 =	vmin.f32 v8, v6;
	v4 =	vmax.f32 v4, v6;
	v6 =	vadd.f32 v11, v5;
	[tilespmem:s15+$0x30] =	vst v1  }
.Ltmp1:
0x4d: {  	v7 =	vmin.f32 v7, v9;
	v4 =	vmax.f32 v4, v9;
	s13 =	sadd.s32 $0x80, s13;
	v5 =	vld [tilespmem:s16+$0x30];
	(pc) =	sbr.rel @p0 .LBB2_3-.Ltmp1, $4  }
0x4e: {  	v7 =	vmin.f32 v7, v10;
	v4 =	vmax.f32 v4, v10;
	v6 =	vadd.f32 v12, v6;
	s14 =	sadd.s32 $0x80, s14;
	[tilespmem:s13+$0xFFFFFFC0] =	vst v1  }
0x4f: {  	v7 =	vmin.f32 v7, v11;
	v4 =	vmax.f32 v4, v11;
	s15 =	sadd.s32 $0x80, s15;
	[tilespmem:s14+$0xFFFFFFC0] =	vst v1  }
0x50: {  	v7 =	vmin.f32 v7, v12;
	v9 =	vmax.f32 v4, v12;
	s16 =	sadd.s32 $0x80, s16;
	v6 =	vadd.f32 v13, v6;
	[tilespmem:s15+$0xFFFFFFC0] =	vst v1  }
0x51: {  	v8 =	vmin.f32 v7, v13;
	v7 =	vmax.f32 v9, v13;
	v4 =	vld [tilespmem:s16+$0xFFFFFFC0]  }
0x52: {  	[tilespmem:s13+$0xFFFFFFD0] =	vst v1  }
0x53: {  	[tilespmem:s14+$0xFFFFFFD0] =	vst v1  }
0x54: {  	[tilespmem:s15+$0xFFFFFFD0] =	vst v1  }
0x55: {  	v9 =	vld [tilespmem:s16+$0xFFFFFFD0];
	[tilespmem:s13+$0xFFFFFFE0] =	vst v1  }
0x56: {  	[tilespmem:s14+$0xFFFFFFE0] =	vst v1  }
0x57: {  	[tilespmem:s15+$0xFFFFFFE0] =	vst v1  }
0x58: {  	v10 =	vld [tilespmem:s16+$0xFFFFFFE0];
	[tilespmem:s13+$0xFFFFFFF0] =	vst v1  }
0x59: {  	[tilespmem:s14+$0xFFFFFFF0] =	vst v1  }
0x5a: {  	[tilespmem:s15+$0xFFFFFFF0] =	vst v1  }
0x5b: {  	v11 =	vld [tilespmem:s16+$0xFFFFFFF0];
	[tilespmem:s13+$0x0] =	vst v1  }
0x5c: {  	[tilespmem:s14+$0x0] =	vst v1  }
0x5d: {  	[tilespmem:s15+$0x0] =	vst v1  }
0x5e: {  	v12 =	vld [tilespmem:s16+$0x0];
	[tilespmem:s13+$0x10] =	vst v1  }
0x5f: {  	[tilespmem:s14+$0x10] =	vst v1  }
0x60: {  	[tilespmem:s15+$0x10] =	vst v1  }
0x61: {  	v13 =	vld [tilespmem:s16+$0x10];
	[tilespmem:s13+$0x20] =	vst v1  }
0x62: {  	[tilespmem:s14+$0x20] =	vst v1  }
0x63: {  	[tilespmem:s15+$0x20] =	vst v1  }
0x64: {  	v8 =	vmin.f32 v8, v5;
	v14 =	vld [tilespmem:s16+$0x20];
	[tilespmem:s13+$0x30] =	vst v1  }
0x65: {  	v7 =	vmax.f32 v7, v5;
	v8 =	vmin.f32 v8, v4;
	[tilespmem:s14+$0x30] =	vst v1  }
0x66: {  	v5 =	vadd.f32 v5, v6;
	v6 =	vmax.f32 v7, v4;
	v7 =	vmin.f32 v8, v9;
	[tilespmem:s15+$0x30] =	vst v1  }
0x67: {  	v6 =	vmax.f32 v6, v9;
	v7 =	vmin.f32 v7, v10;
	v8 =	vld [tilespmem:s16+$0x30]  }
0x68: {  	v4 =	vadd.f32 v4, v5;
	v5 =	vmax.f32 v6, v10;
	v6 =	vmin.f32 v7, v11  }
0x69: {  	v5 =	vmax.f32 v5, v11;
	v6 =	vmin.f32 v6, v12  }
0x6a: {  	v4 =	vadd.f32 v9, v4;
	v5 =	vmax.f32 v5, v12;
	v6 =	vmin.f32 v6, v13  }
0x6b: {  	v5 =	vmax.f32 v5, v13;
	v6 =	vmin.f32 v6, v14  }
0x6c: {  	v4 =	vadd.f32 v10, v4;
	v5 =	vmax.f32 v5, v14;
	v6 =	vmin.f32 v6, v8  }
0x6d: {  	v5 =	vmax.f32 v5, v8;
	(xrf0) =	vmin.scan.msk.f32 $0xffff, v6  }
0x6e: {  	v4 =	vadd.f32 v11, v4;
	(xrf0) =	vmax.scan.msk.f32 $0xffff, v5;
	_ =	sdelay $0x1  }
0x6f: {  	v4 =	vadd.f32 v12, v4;
	_ =	sdelay $0x1  }
0x70: {  	v4 =	vadd.f32 v13, v4  }
0x71: {  	v5, _, _ =	vpop (xrf0)  }
0x72: {  	v4 =	vadd.f32 v14, v4;
	v6, _, _ =	vpop (xrf0)  }
0x73: {  	v6 =	vsub.f32 v6, v5  }
0x74: {  	v4 =	vadd.f32 v8, v4  }
0x75: {  	v6 =	vadd.f32 $9.999999680e-21, v6  }
0x76: {  	(xrf2) =	vadd.scan.msk.f32 $0xffff, v4  }
0x77: {  	v4 =	vbroadcast v6, $0xF;
	_ =	sdelay $0x1  }
0x78: {  	(erf) = vrcp.f32 v4;
	_ =	sdelay $0x6  }
0x79: {  	v4, _, _ =	vpop (xrf2)  }
0x7a: {  	v4 =	vbroadcast v4, $0xF  }
0x7b: {  	v5 =	vbroadcast v5, $0xF;
	v6 =	vpop (erf)  }
0x7c: {  	s13 =	simm.s32 $0x40;
	s14 =	simm.s32 $0xFFFFFFF8;
	s15 =	simm.s32 $0xFFFFFFF8;
	v7 =	vmul.f32 v4, v0;
	v4 =	vimm.f32 $0.0e+00;
	v6 =	vmul.f32 $4.096000000e+03, v6  }
.LBB2_5:
0x7d: {  	v8 =	vld [tilespmem:s13+$0xFFFFFFC0];
	_ =	sdelay $0x4  }
0x7e: {  	v9 =	vsub.f32 v8, v5;
	_ =	sdelay $0x1  }
0x7f: {  	v9 =	vmul.f32 v9, v6;
	_ =	sdelay $0x1  }
0x80: {  	v9 =	vtrunc.f32 v9  }
0x81: {  	v9 =	vcvt.f32.s32 v9;
	_ =	sdelay $0x1  }
0x82: {  	vm0 =	vlt.s32 v9, $0xFFF  }
0x83: {  	v9 =	vnsel vm0, $0xFFF, v9;
	_ =	sdelay $0x4  }
0x84: {  	[tilespmem:v9+s7+$0x0] =	vst.idx.add.f32.msk $0xffff, v8  }
0x85: {  	[tilespmem:v9+s8+$0x0] =	vst.idx.add.f32.msk $0xffff, v2  }
0x86: {  	v9 =	vld [tilespmem:s13+$0xFFFFFFD0];
	_ =	sdelay $0x4  }
0x87: {  	v10 =	vsub.f32 v9, v5;
	_ =	sdelay $0x1  }
0x88: {  	v10 =	vmul.f32 v10, v6;
	_ =	sdelay $0x1  }
0x89: {  	v10 =	vtrunc.f32 v10  }
0x8a: {  	v10 =	vcvt.f32.s32 v10;
	_ =	sdelay $0x1  }
0x8b: {  	vm9 =	vlt.s32 v10, $0xFFF  }
0x8c: {  	v10 =	vnsel vm9, $0xFFF, v10;
	_ =	sdelay $0x4  }
0x8d: {  	[tilespmem:v10+s7+$0x0] =	vst.idx.add.f32.msk $0xffff, v9  }
0x8e: {  	[tilespmem:v10+s8+$0x0] =	vst.idx.add.f32.msk $0xffff, v2  }
0x8f: {  	v10 =	vld [tilespmem:s13+$0xFFFFFFE0];
	_ =	sdelay $0x4  }
0x90: {  	v11 =	vsub.f32 v10, v5;
	_ =	sdelay $0x1  }
0x91: {  	v11 =	vmul.f32 v11, v6;
	_ =	sdelay $0x1  }
0x92: {  	v11 =	vtrunc.f32 v11  }
0x93: {  	v11 =	vcvt.f32.s32 v11;
	_ =	sdelay $0x1  }
0x94: {  	vm10 =	vlt.s32 v11, $0xFFF  }
0x95: {  	v11 =	vnsel vm10, $0xFFF, v11;
	_ =	sdelay $0x4  }
0x96: {  	[tilespmem:v11+s7+$0x0] =	vst.idx.add.f32.msk $0xffff, v10  }
0x97: {  	[tilespmem:v11+s8+$0x0] =	vst.idx.add.f32.msk $0xffff, v2  }
0x98: {  	v11 =	vld [tilespmem:s13+$0xFFFFFFF0];
	_ =	sdelay $0x4  }
0x99: {  	v12 =	vsub.f32 v11, v5;
	_ =	sdelay $0x1  }
0x9a: {  	v12 =	vmul.f32 v12, v6;
	_ =	sdelay $0x1  }
0x9b: {  	v12 =	vtrunc.f32 v12  }
0x9c: {  	v12 =	vcvt.f32.s32 v12;
	_ =	sdelay $0x1  }
0x9d: {  	vm11 =	vlt.s32 v12, $0xFFF  }
0x9e: {  	v12 =	vnsel vm11, $0xFFF, v12;
	_ =	sdelay $0x4  }
0x9f: {  	[tilespmem:v12+s7+$0x0] =	vst.idx.add.f32.msk $0xffff, v11  }
0xa0: {  	[tilespmem:v12+s8+$0x0] =	vst.idx.add.f32.msk $0xffff, v2  }
0xa1: {  	v12 =	vld [tilespmem:s13+$0x0];
	_ =	sdelay $0x4  }
0xa2: {  	v13 =	vsub.f32 v12, v5;
	_ =	sdelay $0x1  }
0xa3: {  	v13 =	vmul.f32 v13, v6;
	_ =	sdelay $0x1  }
0xa4: {  	v13 =	vtrunc.f32 v13  }
0xa5: {  	v13 =	vcvt.f32.s32 v13;
	_ =	sdelay $0x1  }
0xa6: {  	vm12 =	vlt.s32 v13, $0xFFF  }
0xa7: {  	v13 =	vnsel vm12, $0xFFF, v13;
	_ =	sdelay $0x4  }
0xa8: {  	[tilespmem:v13+s7+$0x0] =	vst.idx.add.f32.msk $0xffff, v12  }
0xa9: {  	[tilespmem:v13+s8+$0x0] =	vst.idx.add.f32.msk $0xffff, v2  }
0xaa: {  	v13 =	vld [tilespmem:s13+$0x10];
	_ =	sdelay $0x4  }
0xab: {  	v14 =	vsub.f32 v13, v5;
	_ =	sdelay $0x1  }
0xac: {  	v14 =	vmul.f32 v14, v6;
	_ =	sdelay $0x1  }
0xad: {  	v14 =	vtrunc.f32 v14  }
0xae: {  	v14 =	vcvt.f32.s32 v14;
	_ =	sdelay $0x1  }
0xaf: {  	vm13 =	vlt.s32 v14, $0xFFF  }
0xb0: {  	v14 =	vnsel vm13, $0xFFF, v14;
	_ =	sdelay $0x4  }
0xb1: {  	[tilespmem:v14+s7+$0x0] =	vst.idx.add.f32.msk $0xffff, v13  }
0xb2: {  	[tilespmem:v14+s8+$0x0] =	vst.idx.add.f32.msk $0xffff, v2  }
0xb3: {  	v14 =	vld [tilespmem:s13+$0x20];
	_ =	sdelay $0x4  }
0xb4: {  	v15 =	vsub.f32 v14, v5;
	_ =	sdelay $0x1  }
0xb5: {  	v15 =	vmul.f32 v15, v6;
	_ =	sdelay $0x1  }
0xb6: {  	v15 =	vtrunc.f32 v15  }
0xb7: {  	v15 =	vcvt.f32.s32 v15;
	_ =	sdelay $0x1  }
0xb8: {  	vm14 =	vlt.s32 v15, $0xFFF  }
0xb9: {  	v15 =	vnsel vm14, $0xFFF, v15;
	_ =	sdelay $0x4  }
0xba: {  	[tilespmem:v15+s7+$0x0] =	vst.idx.add.f32.msk $0xffff, v14  }
0xbb: {  	[tilespmem:v15+s8+$0x0] =	vst.idx.add.f32.msk $0xffff, v2  }
0xbc: {  	v8 =	vsub.f32 v8, v7;
	v15 =	vld [tilespmem:s13+$0x30];
	_ =	sdelay $0x1  }
0xbd: {  	v8 =	vmul.f32 v8, v8;
	v9 =	vsub.f32 v9, v7;
	_ =	sdelay $0x1  }
0xbe: {  	v4 =	vadd.f32 v8, v4;
	v8 =	vmul.f32 v9, v9;
	v53 =	vsub.f32 v10, v7  }
0xbf: {  	v54 =	vsub.f32 v15, v5  }
0xc0: {  	v4 =	vadd.f32 v8, v4;
	v8 =	vmul.f32 v53, v53;
	v55 =	vsub.f32 v11, v7  }
0xc1: {  	v10 =	vmul.f32 v54, v6  }
0xc2: {  	v4 =	vadd.f32 v8, v4;
	v8 =	vmul.f32 v55, v55;
	v56 =	vsub.f32 v12, v7  }
0xc3: {  	v10 =	vtrunc.f32 v10  }
0xc4: {  	v4 =	vadd.f32 v8, v4;
	v8 =	vmul.f32 v56, v56;
	v57 =	vcvt.f32.s32 v10  }
0xc5: {  	v58 =	vsub.f32 v13, v7  }
0xc6: {  	v4 =	vadd.f32 v8, v4;
	vm15 =	vlt.s32 v57, $0xFFF  }
0xc7: {  	s14 =	sadd.s32 $0x8, s14;
	v59 =	vmul.f32 v58, v58;
	v60 =	vsub.f32 v14, v7;
	v8 =	vnsel vm15, $0xFFF, v57  }
0xc8: {  	p0 =	slt.u32 s14, $0xF8  }
.Ltmp2:
0xc9: {  	v4 =	vadd.f32 v59, v4;
	v61 =	vmul.f32 v60, v60;
	v62 =	vsub.f32 v15, v7;
	(pc) =	sbr.rel @p0 .LBB2_5-.Ltmp2, $4  }
0xca: {  	_ = 	snop  }
0xcb: {  	v4 =	vadd.f32 v61, v4;
	v63 =	vmul.f32 v62, v62  }
0xcc: {  	s16 =	simm.f32 $0.0e+00;
	[tilespmem:v8+s7+$0x0] =	vst.idx.add.f32.msk $0xffff, v15  }
0xcd: {  	s19 =	simm.s32 $0x2040;
	s20 =	simm.s32 $0x1040;
	s13 =	sadd.s32 $0x80, s13;
	v4 =	vadd.f32 v63, v4;
	[tilespmem:v8+s8+$0x0] =	vst.idx.add.f32.msk $0xffff, v2  }
0xce: {  	s21 =	simm.f32 $0.0e+00  }
.LBB2_7:
0xcf: {  	v5 =	vld [tilespmem:s19+$0xFFFFFFC0];
	_ =	sdelay $0x4  }
0xd0: {  	(xrf2) =	vadd.scan.msk.f32 $0xffff, v5;
	_ =	sdelay $0x8  }
0xd1: {  	v6 =	vmax.f32 v5, $1.000000000e+00  }
0xd2: {  	(erf) = vrcp.f32 v6;
	v7, _, _ =	vpop (xrf2)  }
0xd3: {  	v6 =	vadd.f32 s21, v7;
	_ =	sdelay $0x1  }
0xd4: {  	v6 =	vsub.f32 v6, v5;
	_ =	sdelay $0x1  }
0xd5: {  	v8 =	vld [tilespmem:s20+$0xFFFFFFC0];
	v6 =	vtrunc.f32 v6  }
0xd6: {  	vm0 =	vgt.f32 v5, $5.000000000e-01;
	v6 =	vcvt.f32.s32 v6;
	_ =	sdelay $0x2  }
0xd7: {  	v5 =	vpop (erf)  }
0xd8: {  	v5 =	vmul.f32 v5, v8  }
0xd9: {  	(v2sf) =	vpush v7, $0xF  }
0xda: {  	[tilespmem:v6+s9+$0x0] =	vst.idx.msk vm0, v5  }
0xdb: {  	v5 =	vld [tilespmem:s19+$0xFFFFFFD0];
	_ =	sdelay $0x4  }
0xdc: {  	(xrf2) =	vadd.scan.msk.f32 $0xffff, v5;
	_ =	sdelay $0x7  }
0xdd: {  	s13 =	spop (v2sf)  }
0xde: {  	s13 =	sadd.f32 s13, s21;
	v6 =	vmax.f32 v5, $1.000000000e+00  }
0xdf: {  	(erf) = vrcp.f32 v6;
	v7, _, _ =	vpop (xrf2)  }
0xe0: {  	v6 =	vadd.f32 s13, v7;
	_ =	sdelay $0x1  }
0xe1: {  	v6 =	vsub.f32 v6, v5;
	_ =	sdelay $0x1  }
0xe2: {  	v58 =	vld [tilespmem:s20+$0xFFFFFFD0];
	v6 =	vtrunc.f32 v6  }
0xe3: {  	vm9 =	vgt.f32 v5, $5.000000000e-01;
	v6 =	vcvt.f32.s32 v6;
	_ =	sdelay $0x2  }
0xe4: {  	v5 =	vpop (erf)  }
0xe5: {  	v5 =	vmul.f32 v5, v58  }
0xe6: {  	(v2sf) =	vpush v7, $0xF  }
0xe7: {  	[tilespmem:v6+s9+$0x0] =	vst.idx.msk vm9, v5  }
0xe8: {  	v5 =	vld [tilespmem:s19+$0xFFFFFFE0];
	_ =	sdelay $0x4  }
0xe9: {  	(xrf2) =	vadd.scan.msk.f32 $0xffff, v5;
	_ =	sdelay $0x7  }
0xea: {  	s14 =	spop (v2sf)  }
0xeb: {  	s13 =	sadd.f32 s14, s13;
	v6 =	vmax.f32 v5, $1.000000000e+00  }
0xec: {  	(erf) = vrcp.f32 v6;
	v7, _, _ =	vpop (xrf2)  }
0xed: {  	v6 =	vadd.f32 s13, v7;
	_ =	sdelay $0x1  }
0xee: {  	v6 =	vsub.f32 v6, v5;
	_ =	sdelay $0x1  }
0xef: {  	v59 =	vld [tilespmem:s20+$0xFFFFFFE0];
	v6 =	vtrunc.f32 v6  }
0xf0: {  	vm10 =	vgt.f32 v5, $5.000000000e-01;
	v6 =	vcvt.f32.s32 v6;
	_ =	sdelay $0x2  }
0xf1: {  	v5 =	vpop (erf)  }
0xf2: {  	v5 =	vmul.f32 v5, v59  }
0xf3: {  	(v2sf) =	vpush v7, $0xF  }
0xf4: {  	[tilespmem:v6+s9+$0x0] =	vst.idx.msk vm10, v5  }
0xf5: {  	v5 =	vld [tilespmem:s19+$0xFFFFFFF0];
	_ =	sdelay $0x4  }
0xf6: {  	(xrf2) =	vadd.scan.msk.f32 $0xffff, v5;
	_ =	sdelay $0x7  }
0xf7: {  	s25 =	spop (v2sf)  }
0xf8: {  	s13 =	sadd.f32 s25, s13;
	v6 =	vmax.f32 v5, $1.000000000e+00  }
0xf9: {  	(erf) = vrcp.f32 v6;
	v7, _, _ =	vpop (xrf2)  }
0xfa: {  	v6 =	vadd.f32 s13, v7;
	_ =	sdelay $0x1  }
0xfb: {  	v6 =	vsub.f32 v6, v5;
	_ =	sdelay $0x1  }
0xfc: {  	v60 =	vld [tilespmem:s20+$0xFFFFFFF0];
	v6 =	vtrunc.f32 v6  }
0xfd: {  	vm11 =	vgt.f32 v5, $5.000000000e-01;
	v6 =	vcvt.f32.s32 v6;
	_ =	sdelay $0x2  }
0xfe: {  	v5 =	vpop (erf)  }
0xff: {  	v5 =	vmul.f32 v5, v60  }
0x100: {  	(v2sf) =	vpush v7, $0xF  }
0x101: {  	[tilespmem:v6+s9+$0x0] =	vst.idx.msk vm11, v5  }
0x102: {  	v5 =	vld [tilespmem:s19+$0x0];
	_ =	sdelay $0x4  }
0x103: {  	(xrf2) =	vadd.scan.msk.f32 $0xffff, v5;
	_ =	sdelay $0x7  }
0x104: {  	s26 =	spop (v2sf)  }
0x105: {  	s13 =	sadd.f32 s26, s13;
	v6 =	vmax.f32 v5, $1.000000000e+00  }
0x106: {  	(erf) = vrcp.f32 v6;
	v7, _, _ =	vpop (xrf2)  }
0x107: {  	v6 =	vadd.f32 s13, v7;
	_ =	sdelay $0x1  }
0x108: {  	v6 =	vsub.f32 v6, v5;
	_ =	sdelay $0x1  }
0x109: {  	v61 =	vld [tilespmem:s20+$0x0];
	v6 =	vtrunc.f32 v6  }
0x10a: {  	vm12 =	vgt.f32 v5, $5.000000000e-01;
	v6 =	vcvt.f32.s32 v6;
	_ =	sdelay $0x2  }
0x10b: {  	v5 =	vpop (erf)  }
0x10c: {  	v5 =	vmul.f32 v5, v61  }
0x10d: {  	(v2sf) =	vpush v7, $0xF  }
0x10e: {  	[tilespmem:v6+s9+$0x0] =	vst.idx.msk vm12, v5  }
0x10f: {  	v5 =	vld [tilespmem:s19+$0x10];
	_ =	sdelay $0x4  }
0x110: {  	(xrf2) =	vadd.scan.msk.f32 $0xffff, v5;
	_ =	sdelay $0x7  }
0x111: {  	s28 =	spop (v2sf)  }
0x112: {  	s13 =	sadd.f32 s28, s13;
	v6 =	vmax.f32 v5, $1.000000000e+00  }
0x113: {  	(erf) = vrcp.f32 v6;
	v7, _, _ =	vpop (xrf2)  }
0x114: {  	v6 =	vadd.f32 s13, v7;
	_ =	sdelay $0x1  }
0x115: {  	v6 =	vsub.f32 v6, v5;
	_ =	sdelay $0x1  }
0x116: {  	v62 =	vld [tilespmem:s20+$0x10];
	v6 =	vtrunc.f32 v6  }
0x117: {  	vm13 =	vgt.f32 v5, $5.000000000e-01;
	v6 =	vcvt.f32.s32 v6;
	_ =	sdelay $0x2  }
0x118: {  	v5 =	vpop (erf)  }
0x119: {  	v5 =	vmul.f32 v5, v62  }
0x11a: {  	(v2sf) =	vpush v7, $0xF  }
0x11b: {  	[tilespmem:v6+s9+$0x0] =	vst.idx.msk vm13, v5  }
0x11c: {  	v5 =	vld [tilespmem:s19+$0x20];
	_ =	sdelay $0x4  }
0x11d: {  	(xrf2) =	vadd.scan.msk.f32 $0xffff, v5;
	_ =	sdelay $0x7  }
0x11e: {  	s29 =	spop (v2sf)  }
0x11f: {  	s13 =	sadd.f32 s29, s13;
	v6 =	vmax.f32 v5, $1.000000000e+00  }
0x120: {  	(erf) = vrcp.f32 v6;
	v7, _, _ =	vpop (xrf2)  }
0x121: {  	v6 =	vadd.f32 s13, v7;
	_ =	sdelay $0x1  }
0x122: {  	v6 =	vsub.f32 v6, v5;
	_ =	sdelay $0x1  }
0x123: {  	v63 =	vld [tilespmem:s20+$0x20];
	v6 =	vtrunc.f32 v6  }
0x124: {  	vm14 =	vgt.f32 v5, $5.000000000e-01;
	v6 =	vcvt.f32.s32 v6;
	_ =	sdelay $0x2  }
0x125: {  	v5 =	vpop (erf)  }
0x126: {  	v5 =	vmul.f32 v5, v63;
	_ =	sdelay $0x1  }
0x127: {  	[tilespmem:v6+s9+$0x0] =	vst.idx.msk vm14, v5  }
0x128: {  	v5 =	vld [tilespmem:s19+$0x30];
	_ =	sdelay $0x2  }
0x129: {  	(v2sf) =	vpush v7, $0xF;
	_ =	sdelay $0x1  }
0x12a: {  	(xrf2) =	vadd.scan.msk.f32 $0xffff, v5;
	_ =	sdelay $0x9  }
0x12b: {  	v6, _, _ =	vpop (xrf2)  }
0x12c: {  	(v2sf) =	vpush v6, $0xF;
	_ =	sdelay $0x1  }
0x12d: {  	s30 =	spop (v2sf)  }
0x12e: {  	s13 =	sadd.f32 s30, s13;
	v7 =	vmax.f32 v5, $1.000000000e+00  }
0x12f: {  	(erf) = vrcp.f32 v7  }
0x130: {  	v6 =	vadd.f32 s13, v6;
	_ =	sdelay $0x1  }
0x131: {  	v6 =	vsub.f32 v6, v5;
	_ =	sdelay $0x1  }
0x132: {  	v7 =	vld [tilespmem:s20+$0x30];
	v6 =	vtrunc.f32 v6  }
0x133: {  	s15 =	sadd.s32 $0x8, s15;
	vm15 =	vgt.f32 v5, $5.000000000e-01;
	v6 =	vcvt.f32.s32 v6  }
0x134: {  	p0 =	slt.u32 s15, $0xF8  }
.Ltmp3:
0x135: {  	_ = 	snop;
	(pc) =	sbr.rel @p0 .LBB2_7-.Ltmp3, $4  }
0x136: {  	v5 =	vpop (erf)  }
0x137: {  	s18 =	simm.s32 $0xFFFFFFF8;
	s17 =	simm.s32 $0x3040;
	v5 =	vmul.f32 v5, v7  }
0x138: {  	s14 =	simm.s32 $0x4040;
	s19 =	sadd.s32 $0x80, s19;
	s31 =	spop (v2sf)  }
0x139: {  	s20 =	sadd.s32 $0x80, s20;
	[tilespmem:v6+s9+$0x0] =	vst.idx.msk vm15, v5;
	s21 =	sadd.f32 s31, s13;
	s13 =	simm.s32 $0x5040  }
0x13a: {  	v5 =	vld [tilespmem:s17+$0xFFFFFFC0];
	_ =	sdelay $0x4  }
0x13b: {  	(xrf0) =	vmax.scan.msk.f32 $0xffff, v5;
	_ =	sdelay $0x5  }
0x13c: {  	v5, _, _ =	vpop (xrf0)  }
0x13d: {  	v5 =	vmax.f32 v5, s16  }
0x13e: {  	v6 =	vmul.f32 v5, v5  }
0x13f: {  	(xrf2) =	vadd.scan.msk.f32 $0xffff, v5  }
0x140: {  	(xrf2) =	vadd.scan.msk.f32 $0xffff, v6;
	_ =	sdelay $0x8  }
0x141: {  	v6, _, _ =	vpop (xrf2)  }
0x142: {  	v7 =	vadd.f32 s16, v6;
	v8, _, _ =	vpop (xrf2)  }
0x143: {  	v9 =	vadd.f32 s16, v8  }
0x144: {  	[tilespmem:s14+$0xFFFFFFC0] =	vst v7  }
0x145: {  	[tilespmem:s13+$0xFFFFFFC0] =	vst v9  }
0x146: {  	v7 =	vld [tilespmem:s17+$0xFFFFFFD0];
	_ =	sdelay $0x2  }
0x147: {  	(xrf0) =	vmax.scan.msk.f32 $0xffff, v5;
	_ =	sdelay $0x1  }
0x148: {  	(xrf0) =	vmax.scan.msk.f32 $0xffff, v7;
	_ =	sdelay $0x1  }
0x149: {  	(v2sf) =	vpush v6, $0xF  }
0x14a: {  	(v2sf) =	vpush v8, $0xF  }
0x14b: {  	v5, _, _ =	vpop (xrf0)  }
0x14c: {  	v5 =	vbroadcast v5, $0xF  }
0x14d: {  	v6, _, _ =	vpop (xrf0)  }
0x14e: {  	v5 =	vmax.f32 v6, v5  }
0x14f: {  	v6 =	vmul.f32 v5, v5  }
0x150: {  	(xrf2) =	vadd.scan.msk.f32 $0xffff, v5  }
0x151: {  	(xrf2) =	vadd.scan.msk.f32 $0xffff, v6;
	_ =	sdelay $0x6  }
0x152: {  	s15 =	spop (v2sf)  }
0x153: {  	s15 =	sadd.f32 s15, s16;
	s19 =	spop (v2sf)  }
0x154: {  	s30 =	sadd.f32 s19, s16;
	v6, _, _ =	vpop (xrf2)  }
0x155: {  	v7 =	vadd.f32 s15, v6;
	v50, _, _ =	vpop (xrf2)  }
0x156: {  	v51 =	vadd.f32 s30, v50  }
0x157: {  	[tilespmem:s14+$0xFFFFFFD0] =	vst v7  }
0x158: {  	[tilespmem:s13+$0xFFFFFFD0] =	vst v51  }
0x159: {  	v7 =	vld [tilespmem:s17+$0xFFFFFFE0];
	_ =	sdelay $0x2  }
0x15a: {  	(xrf0) =	vmax.scan.msk.f32 $0xffff, v5;
	_ =	sdelay $0x1  }
0x15b: {  	(xrf0) =	vmax.scan.msk.f32 $0xffff, v7  }
0x15c: {  	(v2sf) =	vpush v50, $0xF  }
0x15d: {  	(v2sf) =	vpush v6, $0xF;
	_ =	sdelay $0x1  }
0x15e: {  	v5, _, _ =	vpop (xrf0)  }
0x15f: {  	v5 =	vbroadcast v5, $0xF  }
0x160: {  	v6, _, _ =	vpop (xrf0)  }
0x161: {  	v5 =	vmax.f32 v6, v5  }
0x162: {  	v6 =	vmul.f32 v5, v5  }
0x163: {  	(xrf2) =	vadd.scan.msk.f32 $0xffff, v5  }
0x164: {  	(xrf2) =	vadd.scan.msk.f32 $0xffff, v6;
	_ =	sdelay $0x5  }
0x165: {  	s31 =	spop (v2sf)  }
0x166: {  	s20 =	spop (v2sf)  }
0x167: {  	s15 =	sadd.f32 s20, s15  }
0x168: {  	s16 =	sadd.f32 s31, s30;
	v6, _, _ =	vpop (xrf2)  }
0x169: {  	v7 =	vadd.f32 s15, v6;
	v52, _, _ =	vpop (xrf2)  }
0x16a: {  	v53 =	vadd.f32 s16, v52  }
0x16b: {  	[tilespmem:s14+$0xFFFFFFE0] =	vst v7  }
0x16c: {  	[tilespmem:s13+$0xFFFFFFE0] =	vst v53  }
0x16d: {  	v7 =	vld [tilespmem:s17+$0xFFFFFFF0];
	_ =	sdelay $0x2  }
0x16e: {  	(xrf0) =	vmax.scan.msk.f32 $0xffff, v5;
	_ =	sdelay $0x1  }
0x16f: {  	(xrf0) =	vmax.scan.msk.f32 $0xffff, v7;
	_ =	sdelay $0x1  }
0x170: {  	(v2sf) =	vpush v6, $0xF  }
0x171: {  	(v2sf) =	vpush v52, $0xF  }
0x172: {  	v5, _, _ =	vpop (xrf0)  }
0x173: {  	v5 =	vbroadcast v5, $0xF  }
0x174: {  	v6, _, _ =	vpop (xrf0)  }
0x175: {  	v5 =	vmax.f32 v6, v5  }
0x176: {  	v6 =	vmul.f32 v5, v5  }
0x177: {  	(xrf2) =	vadd.scan.msk.f32 $0xffff, v5  }
0x178: {  	(xrf2) =	vadd.scan.msk.f32 $0xffff, v6;
	_ =	sdelay $0x6  }
0x179: {  	s21 =	spop (v2sf)  }
0x17a: {  	s15 =	sadd.f32 s21, s15;
	s22 =	spop (v2sf)  }
0x17b: {  	s16 =	sadd.f32 s22, s16;
	v6, _, _ =	vpop (xrf2)  }
0x17c: {  	v7 =	vadd.f32 s15, v6;
	v54, _, _ =	vpop (xrf2)  }
0x17d: {  	v55 =	vadd.f32 s16, v54  }
0x17e: {  	[tilespmem:s14+$0xFFFFFFF0] =	vst v7  }
0x17f: {  	[tilespmem:s13+$0xFFFFFFF0] =	vst v55  }
0x180: {  	v7 =	vld [tilespmem:s17+$0x0];
	_ =	sdelay $0x2  }
0x181: {  	(xrf0) =	vmax.scan.msk.f32 $0xffff, v5;
	_ =	sdelay $0x1  }
0x182: {  	(xrf0) =	vmax.scan.msk.f32 $0xffff, v7;
	_ =	sdelay $0x1  }
0x183: {  	(v2sf) =	vpush v6, $0xF  }
0x184: {  	(v2sf) =	vpush v54, $0xF  }
0x185: {  	v5, _, _ =	vpop (xrf0)  }
0x186: {  	v5 =	vbroadcast v5, $0xF  }
0x187: {  	v6, _, _ =	vpop (xrf0)  }
0x188: {  	v5 =	vmax.f32 v6, v5  }
0x189: {  	v6 =	vmul.f32 v5, v5  }
0x18a: {  	(xrf2) =	vadd.scan.msk.f32 $0xffff, v5  }
0x18b: {  	(xrf2) =	vadd.scan.msk.f32 $0xffff, v6;
	_ =	sdelay $0x6  }
0x18c: {  	s23 =	spop (v2sf)  }
0x18d: {  	s15 =	sadd.f32 s23, s15;
	s24 =	spop (v2sf)  }
0x18e: {  	s16 =	sadd.f32 s24, s16;
	v6, _, _ =	vpop (xrf2)  }
0x18f: {  	v7 =	vadd.f32 s15, v6;
	v56, _, _ =	vpop (xrf2)  }
0x190: {  	v57 =	vadd.f32 s16, v56  }
0x191: {  	[tilespmem:s14+$0x0] =	vst v7  }
0x192: {  	[tilespmem:s13+$0x0] =	vst v57  }
0x193: {  	v7 =	vld [tilespmem:s17+$0x10];
	_ =	sdelay $0x2  }
0x194: {  	(xrf0) =	vmax.scan.msk.f32 $0xffff, v5;
	_ =	sdelay $0x1  }
0x195: {  	(xrf0) =	vmax.scan.msk.f32 $0xffff, v7;
	_ =	sdelay $0x1  }
0x196: {  	(v2sf) =	vpush v6, $0xF  }
0x197: {  	(v2sf) =	vpush v56, $0xF  }
0x198: {  	v5, _, _ =	vpop (xrf0)  }
0x199: {  	v5 =	vbroadcast v5, $0xF  }
0x19a: {  	v6, _, _ =	vpop (xrf0)  }
0x19b: {  	v5 =	vmax.f32 v6, v5  }
0x19c: {  	v6 =	vmul.f32 v5, v5  }
0x19d: {  	(xrf2) =	vadd.scan.msk.f32 $0xffff, v5  }
0x19e: {  	(xrf2) =	vadd.scan.msk.f32 $0xffff, v6;
	_ =	sdelay $0x6  }
0x19f: {  	s25 =	spop (v2sf)  }
0x1a0: {  	s15 =	sadd.f32 s25, s15;
	s26 =	spop (v2sf)  }
0x1a1: {  	s16 =	sadd.f32 s26, s16;
	v6, _, _ =	vpop (xrf2)  }
0x1a2: {  	v7 =	vadd.f32 s15, v6;
	v58, _, _ =	vpop (xrf2)  }
0x1a3: {  	v59 =	vadd.f32 s16, v58  }
0x1a4: {  	[tilespmem:s14+$0x10] =	vst v7  }
0x1a5: {  	[tilespmem:s13+$0x10] =	vst v59  }
0x1a6: {  	v7 =	vld [tilespmem:s17+$0x20];
	_ =	sdelay $0x2  }
0x1a7: {  	(xrf0) =	vmax.scan.msk.f32 $0xffff, v5;
	_ =	sdelay $0x1  }
0x1a8: {  	(xrf0) =	vmax.scan.msk.f32 $0xffff, v7;
	_ =	sdelay $0x1  }
0x1a9: {  	(v2sf) =	vpush v6, $0xF  }
0x1aa: {  	(v2sf) =	vpush v58, $0xF  }
0x1ab: {  	v5, _, _ =	vpop (xrf0)  }
0x1ac: {  	v5 =	vbroadcast v5, $0xF  }
0x1ad: {  	v6, _, _ =	vpop (xrf0)  }
0x1ae: {  	v5 =	vmax.f32 v6, v5  }
0x1af: {  	v6 =	vmul.f32 v5, v5  }
0x1b0: {  	(xrf2) =	vadd.scan.msk.f32 $0xffff, v5  }
0x1b1: {  	(xrf2) =	vadd.scan.msk.f32 $0xffff, v6;
	_ =	sdelay $0x6  }
0x1b2: {  	s28 =	spop (v2sf)  }
0x1b3: {  	s15 =	sadd.f32 s28, s15;
	s29 =	spop (v2sf)  }
0x1b4: {  	s16 =	sadd.f32 s29, s16;
	v6, _, _ =	vpop (xrf2)  }
0x1b5: {  	v7 =	vadd.f32 s15, v6;
	v60, _, _ =	vpop (xrf2)  }
0x1b6: {  	v61 =	vadd.f32 s16, v60  }
0x1b7: {  	[tilespmem:s14+$0x20] =	vst v7  }
0x1b8: {  	[tilespmem:s13+$0x20] =	vst v61  }
0x1b9: {  	v7 =	vld [tilespmem:s17+$0x30];
	_ =	sdelay $0x2  }
0x1ba: {  	(xrf0) =	vmax.scan.msk.f32 $0xffff, v5;
	_ =	sdelay $0x1  }
0x1bb: {  	(xrf0) =	vmax.scan.msk.f32 $0xffff, v7;
	_ =	sdelay $0x2  }
0x1bc: {  	(v2sf) =	vpush v6, $0xF  }
0x1bd: {  	v5, _, _ =	vpop (xrf0);
	(v2sf) =	vpush v60, $0xF  }
0x1be: {  	v5 =	vbroadcast v5, $0xF  }
0x1bf: {  	v6, _, _ =	vpop (xrf0)  }
0x1c0: {  	v5 =	vmax.f32 v6, v5  }
0x1c1: {  	(xrf2) =	vadd.scan.msk.f32 $0xffff, v5  }
0x1c2: {  	v6 =	vmul.f32 v5, v5;
	(xrf0) =	vmax.scan.msk.f32 $0xffff, v5;
	_ =	sdelay $0x1  }
0x1c3: {  	(xrf2) =	vadd.scan.msk.f32 $0xffff, v6;
	_ =	sdelay $0x3  }
0x1c4: {  	v62, _, _ =	vpop (xrf0)  }
0x1c5: {  	(v2sf) =	vpush v62, $0xF;
	_ =	sdelay $0x1  }
0x1c6: {  	s30 =	spop (v2sf);
	v5, _, _ =	vpop (xrf2)  }
0x1c7: {  	s20 =	sadd.f32 s30, s15;
	s21 =	spop (v2sf);
	(v2sf) =	vpush v5, $0xF  }
0x1c8: {  	s19 =	sadd.f32 s21, s16  }
0x1c9: {  	v6 =	vadd.f32 s20, v5;
	v7, _, _ =	vpop (xrf2)  }
0x1ca: {  	v63 =	vadd.f32 s19, v7;
	(v2sf) =	vpush v7, $0xF  }
0x1cb: {  	[tilespmem:s14+$0x30] =	vst v6  }
0x1cc: {  	s31 =	sadd.s32 $0x8, s18;
	s15 =	sadd.s32 $0x80, s17;
	[tilespmem:s13+$0x30] =	vst v63  }
0x1cd: {  	s16 =	sadd.s32 $0x8, s31;
	v5 =	vld [tilespmem:s15+$0xFFFFFFC0]  }
.LBB2_9:
0x1ce: {  	_ =	sdelay $0x3  }
0x1cf: {  	s16 =	sadd.s32 $0x8, s16;
	s14 =	sadd.s32 $0x80, s14;
	s13 =	sadd.s32 $0x80, s13;
	(xrf0) =	vmax.scan.msk.f32 $0xffff, v5  }
0x1d0: {  	p0 =	slt.u32 s16, $0xF8;
	s18 =	spop (v2sf);
	_ =	sdelay $0x2  }
0x1d1: {  	s17 =	spop (v2sf)  }
0x1d2: {  	s17 =	sadd.f32 s17, s20  }
0x1d3: {  	v5, _, _ =	vpop (xrf0)  }
0x1d4: {  	v5 =	vmax.f32 v5, s18;
	s18 =	spop (v2sf)  }
0x1d5: {  	v6 =	vmul.f32 v5, v5;
	(xrf2) =	vadd.scan.msk.f32 $0xffff, v5;
	s18 =	sadd.f32 s18, s19  }
0x1d6: {  	(xrf0) =	vmax.scan.msk.f32 $0xffff, v5;
	_ =	sdelay $0x1  }
0x1d7: {  	(xrf2) =	vadd.scan.msk.f32 $0xffff, v6;
	_ =	sdelay $0x3  }
0x1d8: {  	v5, _, _ =	vpop (xrf0);
	_ =	sdelay $0x2  }
0x1d9: {  	v6, _, _ =	vpop (xrf2)  }
0x1da: {  	v7 =	vadd.f32 s17, v6;
	(v2sf) =	vpush v6, $0xF;
	_ =	sdelay $0x1  }
0x1db: {  	v6, _, _ =	vpop (xrf2)  }
0x1dc: {  	v8 =	vadd.f32 s18, v6;
	(v2sf) =	vpush v6, $0xF  }
0x1dd: {  	[tilespmem:s14+$0xFFFFFFC0] =	vst v7  }
0x1de: {  	[tilespmem:s13+$0xFFFFFFC0] =	vst v8  }
0x1df: {  	v6 =	vld [tilespmem:s15+$0xFFFFFFD0];
	_ =	sdelay $0x4  }
0x1e0: {  	(xrf0) =	vmax.scan.msk.f32 $0xffff, v6;
	_ =	sdelay $0x3  }
0x1e1: {  	v5 =	vbroadcast v5, $0xF;
	s19 =	spop (v2sf);
	_ =	sdelay $0x1  }
0x1e2: {  	v6, _, _ =	vpop (xrf0)  }
0x1e3: {  	v5 =	vmax.f32 v6, v5;
	s20 =	spop (v2sf)  }
0x1e4: {  	v6 =	vmul.f32 v5, v5;
	(xrf2) =	vadd.scan.msk.f32 $0xffff, v5  }
0x1e5: {  	(xrf0) =	vmax.scan.msk.f32 $0xffff, v5;
	_ =	sdelay $0x1  }
0x1e6: {  	(xrf2) =	vadd.scan.msk.f32 $0xffff, v6;
	_ =	sdelay $0x3  }
0x1e7: {  	v5, _, _ =	vpop (xrf0);
	_ =	sdelay $0x1  }
0x1e8: {  	s17 =	sadd.f32 s19, s17  }
0x1e9: {  	v6, _, _ =	vpop (xrf2)  }
0x1ea: {  	v7 =	vadd.f32 s17, v6  }
0x1eb: {  	s18 =	sadd.f32 s20, s18  }
0x1ec: {  	v8, _, _ =	vpop (xrf2)  }
0x1ed: {  	v9 =	vadd.f32 s18, v8;
	(v2sf) =	vpush v8, $0xF  }
0x1ee: {  	[tilespmem:s14+$0xFFFFFFD0] =	vst v7  }
0x1ef: {  	[tilespmem:s13+$0xFFFFFFD0] =	vst v9  }
0x1f0: {  	v7 =	vld [tilespmem:s15+$0xFFFFFFE0];
	_ =	sdelay $0x4  }
0x1f1: {  	(xrf0) =	vmax.scan.msk.f32 $0xffff, v7  }
0x1f2: {  	(v2sf) =	vpush v6, $0xF;
	_ =	sdelay $0x2  }
0x1f3: {  	v5 =	vbroadcast v5, $0xF;
	_ =	sdelay $0x1  }
0x1f4: {  	v6, _, _ =	vpop (xrf0)  }
0x1f5: {  	v5 =	vmax.f32 v6, v5;
	s19 =	spop (v2sf)  }
0x1f6: {  	s18 =	sadd.f32 s19, s18;
	v6 =	vmul.f32 v5, v5;
	(xrf2) =	vadd.scan.msk.f32 $0xffff, v5  }
0x1f7: {  	(xrf0) =	vmax.scan.msk.f32 $0xffff, v5;
	_ =	sdelay $0x1  }
0x1f8: {  	(xrf2) =	vadd.scan.msk.f32 $0xffff, v6;
	_ =	sdelay $0x3  }
0x1f9: {  	v5, _, _ =	vpop (xrf0)  }
0x1fa: {  	s19 =	spop (v2sf)  }
0x1fb: {  	s17 =	sadd.f32 s19, s17  }
0x1fc: {  	v6, _, _ =	vpop (xrf2)  }
0x1fd: {  	v7 =	vadd.f32 s17, v6;
	(v2sf) =	vpush v6, $0xF;
	_ =	sdelay $0x1  }
0x1fe: {  	v6, _, _ =	vpop (xrf2)  }
0x1ff: {  	v8 =	vadd.f32 s18, v6;
	(v2sf) =	vpush v6, $0xF  }
0x200: {  	[tilespmem:s14+$0xFFFFFFE0] =	vst v7  }
0x201: {  	[tilespmem:s13+$0xFFFFFFE0] =	vst v8  }
0x202: {  	v6 =	vld [tilespmem:s15+$0xFFFFFFF0];
	_ =	sdelay $0x4  }
0x203: {  	(xrf0) =	vmax.scan.msk.f32 $0xffff, v6;
	_ =	sdelay $0x3  }
0x204: {  	v5 =	vbroadcast v5, $0xF;
	s19 =	spop (v2sf);
	_ =	sdelay $0x1  }
0x205: {  	v6, _, _ =	vpop (xrf0)  }
0x206: {  	v5 =	vmax.f32 v6, v5;
	s20 =	spop (v2sf)  }
0x207: {  	s18 =	sadd.f32 s20, s18;
	v6 =	vmul.f32 v5, v5;
	(xrf2) =	vadd.scan.msk.f32 $0xffff, v5  }
0x208: {  	(xrf0) =	vmax.scan.msk.f32 $0xffff, v5;
	_ =	sdelay $0x1  }
0x209: {  	(xrf2) =	vadd.scan.msk.f32 $0xffff, v6;
	_ =	sdelay $0x3  }
0x20a: {  	v5, _, _ =	vpop (xrf0);
	_ =	sdelay $0x1  }
0x20b: {  	s17 =	sadd.f32 s19, s17  }
0x20c: {  	v6, _, _ =	vpop (xrf2)  }
0x20d: {  	v7 =	vadd.f32 s17, v6;
	(v2sf) =	vpush v6, $0xF;
	_ =	sdelay $0x1  }
0x20e: {  	v6, _, _ =	vpop (xrf2)  }
0x20f: {  	v8 =	vadd.f32 s18, v6;
	(v2sf) =	vpush v6, $0xF  }
0x210: {  	[tilespmem:s14+$0xFFFFFFF0] =	vst v7  }
0x211: {  	[tilespmem:s13+$0xFFFFFFF0] =	vst v8  }
0x212: {  	v6 =	vld [tilespmem:s15+$0x0];
	_ =	sdelay $0x4  }
0x213: {  	(xrf0) =	vmax.scan.msk.f32 $0xffff, v6;
	_ =	sdelay $0x3  }
0x214: {  	v5 =	vbroadcast v5, $0xF;
	s19 =	spop (v2sf);
	_ =	sdelay $0x1  }
0x215: {  	v6, _, _ =	vpop (xrf0)  }
0x216: {  	v5 =	vmax.f32 v6, v5;
	s20 =	spop (v2sf)  }
0x217: {  	s18 =	sadd.f32 s20, s18;
	v6 =	vmul.f32 v5, v5;
	(xrf2) =	vadd.scan.msk.f32 $0xffff, v5  }
0x218: {  	(xrf0) =	vmax.scan.msk.f32 $0xffff, v5;
	_ =	sdelay $0x1  }
0x219: {  	(xrf2) =	vadd.scan.msk.f32 $0xffff, v6;
	_ =	sdelay $0x3  }
0x21a: {  	v5, _, _ =	vpop (xrf0);
	_ =	sdelay $0x1  }
0x21b: {  	s17 =	sadd.f32 s19, s17  }
0x21c: {  	v6, _, _ =	vpop (xrf2)  }
0x21d: {  	v7 =	vadd.f32 s17, v6;
	(v2sf) =	vpush v6, $0xF;
	_ =	sdelay $0x1  }
0x21e: {  	[tilespmem:s14+$0x0] =	vst v7;
	v6, _, _ =	vpop (xrf2)  }
0x21f: {  	v7 =	vadd.f32 s18, v6;
	(v2sf) =	vpush v6, $0xF;
	_ =	sdelay $0x1  }
0x220: {  	[tilespmem:s13+$0x0] =	vst v7  }
0x221: {  	v6 =	vld [tilespmem:s15+$0x10];
	_ =	sdelay $0x4  }
0x222: {  	v5 =	vbroadcast v5, $0xF;
	(xrf0) =	vmax.scan.msk.f32 $0xffff, v6;
	_ =	sdelay $0x3  }
0x223: {  	s19 =	spop (v2sf)  }
0x224: {  	s17 =	sadd.f32 s19, s17  }
0x225: {  	v6, _, _ =	vpop (xrf0)  }
0x226: {  	v5 =	vmax.f32 v6, v5;
	s19 =	spop (v2sf)  }
0x227: {  	s18 =	sadd.f32 s19, s18;
	v6 =	vmul.f32 v5, v5;
	(xrf2) =	vadd.scan.msk.f32 $0xffff, v5  }
0x228: {  	(xrf0) =	vmax.scan.msk.f32 $0xffff, v5;
	_ =	sdelay $0x1  }
0x229: {  	(xrf2) =	vadd.scan.msk.f32 $0xffff, v6;
	_ =	sdelay $0x3  }
0x22a: {  	v5, _, _ =	vpop (xrf0);
	_ =	sdelay $0x2  }
0x22b: {  	v6, _, _ =	vpop (xrf2)  }
0x22c: {  	v7 =	vadd.f32 s17, v6;
	(v2sf) =	vpush v6, $0xF;
	_ =	sdelay $0x1  }
0x22d: {  	[tilespmem:s14+$0x10] =	vst v7;
	v6, _, _ =	vpop (xrf2)  }
0x22e: {  	v7 =	vadd.f32 s18, v6;
	(v2sf) =	vpush v6, $0xF;
	_ =	sdelay $0x1  }
0x22f: {  	[tilespmem:s13+$0x10] =	vst v7  }
0x230: {  	v6 =	vld [tilespmem:s15+$0x20];
	_ =	sdelay $0x4  }
0x231: {  	(xrf0) =	vmax.scan.msk.f32 $0xffff, v6;
	_ =	sdelay $0x3  }
0x232: {  	v5 =	vbroadcast v5, $0xF;
	s19 =	spop (v2sf)  }
0x233: {  	s17 =	sadd.f32 s19, s17  }
0x234: {  	v6, _, _ =	vpop (xrf0)  }
0x235: {  	v5 =	vmax.f32 v6, v5;
	s19 =	spop (v2sf)  }
0x236: {  	s18 =	sadd.f32 s19, s18;
	v6 =	vmul.f32 v5, v5;
	(xrf2) =	vadd.scan.msk.f32 $0xffff, v5  }
0x237: {  	(xrf0) =	vmax.scan.msk.f32 $0xffff, v5;
	_ =	sdelay $0x1  }
0x238: {  	(xrf2) =	vadd.scan.msk.f32 $0xffff, v6;
	_ =	sdelay $0x3  }
0x239: {  	v5, _, _ =	vpop (xrf0);
	_ =	sdelay $0x2  }
0x23a: {  	v6, _, _ =	vpop (xrf2)  }
0x23b: {  	v7 =	vadd.f32 s17, v6;
	(v2sf) =	vpush v6, $0xF;
	_ =	sdelay $0x1  }
0x23c: {  	[tilespmem:s14+$0x20] =	vst v7;
	v6, _, _ =	vpop (xrf2)  }
0x23d: {  	v7 =	vadd.f32 s18, v6;
	(v2sf) =	vpush v6, $0xF;
	_ =	sdelay $0x1  }
0x23e: {  	[tilespmem:s13+$0x20] =	vst v7  }
0x23f: {  	v6 =	vld [tilespmem:s15+$0x30];
	_ =	sdelay $0x2  }
0x240: {  	v5 =	vbroadcast v5, $0xF;
	_ =	sdelay $0x1  }
0x241: {  	(xrf0) =	vmax.scan.msk.f32 $0xffff, v6;
	_ =	sdelay $0x3  }
0x242: {  	s19 =	spop (v2sf);
	_ =	sdelay $0x1  }
0x243: {  	v6, _, _ =	vpop (xrf0)  }
0x244: {  	v5 =	vmax.f32 v6, v5;
	s21 =	spop (v2sf)  }
0x245: {  	v6 =	vmul.f32 v5, v5;
	(xrf2) =	vadd.scan.msk.f32 $0xffff, v5  }
0x246: {  	(xrf0) =	vmax.scan.msk.f32 $0xffff, v5;
	_ =	sdelay $0x1  }
0x247: {  	(xrf2) =	vadd.scan.msk.f32 $0xffff, v6;
	_ =	sdelay $0x3  }
0x248: {  	v5, _, _ =	vpop (xrf0)  }
0x249: {  	(v2sf) =	vpush v5, $0xF  }
0x24a: {  	s20 =	sadd.f32 s19, s17  }
0x24b: {  	v5, _, _ =	vpop (xrf2)  }
0x24c: {  	v6 =	vadd.f32 s20, v5;
	(v2sf) =	vpush v5, $0xF  }
0x24d: {  	s19 =	sadd.f32 s21, s18  }
.Ltmp4:
0x24e: {  	[tilespmem:s14+$0x30] =	vst v6;
	v5, _, _ =	vpop (xrf2);
	(pc) =	sbr.rel @p0 .LBB2_9-.Ltmp4, $3  }
0x24f: {  	v6 =	vadd.f32 s19, v5;
	(v2sf) =	vpush v5, $0xF;
	_ =	sdelay $0x1  }
0x250: {  	s15 =	sadd.s32 $0x80, s15;
	[tilespmem:s13+$0x30] =	vst v6  }
0x251: {  	v5 =	vld [tilespmem:s15+$0xFFFFFFC0]  }
0x252: {  	_ =	sdelay $0x3  }
0x253: {  	(xrf0) =	vmax.scan.msk.f32 $0xffff, v5;
	_ =	sdelay $0x5  }
0x254: {  	s16 =	spop (v2sf);
	v5, _, _ =	vpop (xrf0)  }
0x255: {  	v5 =	vmax.f32 v5, s16  }
0x256: {  	v6 =	vmul.f32 v5, v5  }
0x257: {  	(xrf2) =	vadd.scan.msk.f32 $0xffff, v5  }
0x258: {  	(xrf2) =	vadd.scan.msk.f32 $0xffff, v6;
	_ =	sdelay $0x6  }
0x259: {  	s28 =	spop (v2sf)  }
0x25a: {  	s16 =	sadd.f32 s28, s20;
	s17 =	spop (v2sf)  }
0x25b: {  	s17 =	sadd.f32 s17, s19;
	v6, _, _ =	vpop (xrf2)  }
0x25c: {  	v7 =	vadd.f32 s16, v6;
	v8, _, _ =	vpop (xrf2)  }
0x25d: {  	s14 =	sadd.s32 $0x80, s14;
	v9 =	vadd.f32 s17, v8  }
0x25e: {  	s13 =	sadd.s32 $0x80, s13;
	[tilespmem:s14+$0xFFFFFFC0] =	vst v7  }
0x25f: {  	[tilespmem:s13+$0xFFFFFFC0] =	vst v9  }
0x260: {  	v7 =	vld [tilespmem:s15+$0xFFFFFFD0];
	_ =	sdelay $0x2  }
0x261: {  	(xrf0) =	vmax.scan.msk.f32 $0xffff, v5;
	_ =	sdelay $0x1  }
0x262: {  	(xrf0) =	vmax.scan.msk.f32 $0xffff, v7;
	_ =	sdelay $0x1  }
0x263: {  	(v2sf) =	vpush v6, $0xF  }
0x264: {  	(v2sf) =	vpush v8, $0xF  }
0x265: {  	v5, _, _ =	vpop (xrf0)  }
0x266: {  	v5 =	vbroadcast v5, $0xF  }
0x267: {  	v6, _, _ =	vpop (xrf0)  }
0x268: {  	v5 =	vmax.f32 v6, v5  }
0x269: {  	v6 =	vmul.f32 v5, v5  }
0x26a: {  	(xrf2) =	vadd.scan.msk.f32 $0xffff, v5  }
0x26b: {  	(xrf2) =	vadd.scan.msk.f32 $0xffff, v6;
	_ =	sdelay $0x6  }
0x26c: {  	s18 =	spop (v2sf)  }
0x26d: {  	s16 =	sadd.f32 s18, s16;
	s29 =	spop (v2sf)  }
0x26e: {  	s17 =	sadd.f32 s29, s17;
	v6, _, _ =	vpop (xrf2)  }
0x26f: {  	v7 =	vadd.f32 s16, v6;
	v8, _, _ =	vpop (xrf2)  }
0x270: {  	v9 =	vadd.f32 s17, v8  }
0x271: {  	[tilespmem:s14+$0xFFFFFFD0] =	vst v7  }
0x272: {  	[tilespmem:s13+$0xFFFFFFD0] =	vst v9  }
0x273: {  	v7 =	vld [tilespmem:s15+$0xFFFFFFE0];
	_ =	sdelay $0x2  }
0x274: {  	(xrf0) =	vmax.scan.msk.f32 $0xffff, v5;
	_ =	sdelay $0x1  }
0x275: {  	(xrf0) =	vmax.scan.msk.f32 $0xffff, v7  }
0x276: {  	(v2sf) =	vpush v8, $0xF  }
0x277: {  	(v2sf) =	vpush v6, $0xF;
	_ =	sdelay $0x1  }
0x278: {  	v5, _, _ =	vpop (xrf0)  }
0x279: {  	v5 =	vbroadcast v5, $0xF  }
0x27a: {  	v6, _, _ =	vpop (xrf0)  }
0x27b: {  	v5 =	vmax.f32 v6, v5  }
0x27c: {  	v6 =	vmul.f32 v5, v5  }
0x27d: {  	(xrf2) =	vadd.scan.msk.f32 $0xffff, v5  }
0x27e: {  	(xrf2) =	vadd.scan.msk.f32 $0xffff, v6;
	_ =	sdelay $0x5  }
0x27f: {  	s30 =	spop (v2sf)  }
0x280: {  	s31 =	spop (v2sf)  }
0x281: {  	s16 =	sadd.f32 s31, s16  }
0x282: {  	s17 =	sadd.f32 s30, s17;
	v6, _, _ =	vpop (xrf2)  }
0x283: {  	v7 =	vadd.f32 s16, v6;
	v8, _, _ =	vpop (xrf2)  }
0x284: {  	v9 =	vadd.f32 s17, v8  }
0x285: {  	[tilespmem:s14+$0xFFFFFFE0] =	vst v7  }
0x286: {  	[tilespmem:s13+$0xFFFFFFE0] =	vst v9  }
0x287: {  	v7 =	vld [tilespmem:s15+$0xFFFFFFF0];
	_ =	sdelay $0x2  }
0x288: {  	(xrf0) =	vmax.scan.msk.f32 $0xffff, v5;
	_ =	sdelay $0x1  }
0x289: {  	(xrf0) =	vmax.scan.msk.f32 $0xffff, v7;
	_ =	sdelay $0x1  }
0x28a: {  	(v2sf) =	vpush v6, $0xF  }
0x28b: {  	(v2sf) =	vpush v8, $0xF  }
0x28c: {  	v5, _, _ =	vpop (xrf0)  }
0x28d: {  	v5 =	vbroadcast v5, $0xF  }
0x28e: {  	v6, _, _ =	vpop (xrf0)  }
0x28f: {  	v5 =	vmax.f32 v6, v5  }
0x290: {  	v6 =	vmul.f32 v5, v5  }
0x291: {  	(xrf2) =	vadd.scan.msk.f32 $0xffff, v5  }
0x292: {  	(xrf2) =	vadd.scan.msk.f32 $0xffff, v6;
	_ =	sdelay $0x6  }
0x293: {  	s19 =	spop (v2sf)  }
0x294: {  	s16 =	sadd.f32 s19, s16;
	s20 =	spop (v2sf)  }
0x295: {  	s17 =	sadd.f32 s20, s17;
	v6, _, _ =	vpop (xrf2)  }
0x296: {  	v7 =	vadd.f32 s16, v6;
	v8, _, _ =	vpop (xrf2)  }
0x297: {  	v9 =	vadd.f32 s17, v8  }
0x298: {  	[tilespmem:s14+$0xFFFFFFF0] =	vst v7  }
0x299: {  	[tilespmem:s13+$0xFFFFFFF0] =	vst v9  }
0x29a: {  	v7 =	vld [tilespmem:s15+$0x0];
	_ =	sdelay $0x2  }
0x29b: {  	(xrf0) =	vmax.scan.msk.f32 $0xffff, v5;
	_ =	sdelay $0x1  }
0x29c: {  	(xrf0) =	vmax.scan.msk.f32 $0xffff, v7;
	_ =	sdelay $0x1  }
0x29d: {  	(v2sf) =	vpush v6, $0xF  }
0x29e: {  	(v2sf) =	vpush v8, $0xF  }
0x29f: {  	v5, _, _ =	vpop (xrf0)  }
0x2a0: {  	v5 =	vbroadcast v5, $0xF  }
0x2a1: {  	v6, _, _ =	vpop (xrf0)  }
0x2a2: {  	v5 =	vmax.f32 v6, v5  }
0x2a3: {  	v6 =	vmul.f32 v5, v5  }
0x2a4: {  	(xrf2) =	vadd.scan.msk.f32 $0xffff, v5  }
0x2a5: {  	(xrf2) =	vadd.scan.msk.f32 $0xffff, v6;
	_ =	sdelay $0x6  }
0x2a6: {  	s21 =	spop (v2sf)  }
0x2a7: {  	s16 =	sadd.f32 s21, s16;
	s22 =	spop (v2sf)  }
0x2a8: {  	s17 =	sadd.f32 s22, s17;
	v6, _, _ =	vpop (xrf2)  }
0x2a9: {  	v7 =	vadd.f32 s16, v6;
	v8, _, _ =	vpop (xrf2)  }
0x2aa: {  	v9 =	vadd.f32 s17, v8  }
0x2ab: {  	[tilespmem:s14+$0x0] =	vst v7  }
0x2ac: {  	[tilespmem:s13+$0x0] =	vst v9  }
0x2ad: {  	v7 =	vld [tilespmem:s15+$0x10];
	_ =	sdelay $0x2  }
0x2ae: {  	(xrf0) =	vmax.scan.msk.f32 $0xffff, v5;
	_ =	sdelay $0x1  }
0x2af: {  	(xrf0) =	vmax.scan.msk.f32 $0xffff, v7;
	_ =	sdelay $0x1  }
0x2b0: {  	(v2sf) =	vpush v6, $0xF  }
0x2b1: {  	(v2sf) =	vpush v8, $0xF  }
0x2b2: {  	v5, _, _ =	vpop (xrf0)  }
0x2b3: {  	v5 =	vbroadcast v5, $0xF  }
0x2b4: {  	v6, _, _ =	vpop (xrf0)  }
0x2b5: {  	v5 =	vmax.f32 v6, v5  }
0x2b6: {  	v6 =	vmul.f32 v5, v5  }
0x2b7: {  	(xrf2) =	vadd.scan.msk.f32 $0xffff, v5  }
0x2b8: {  	(xrf2) =	vadd.scan.msk.f32 $0xffff, v6;
	_ =	sdelay $0x6  }
0x2b9: {  	s23 =	spop (v2sf)  }
0x2ba: {  	s16 =	sadd.f32 s23, s16;
	s24 =	spop (v2sf)  }
0x2bb: {  	s17 =	sadd.f32 s24, s17;
	v6, _, _ =	vpop (xrf2)  }
0x2bc: {  	v7 =	vadd.f32 s16, v6;
	v8, _, _ =	vpop (xrf2)  }
0x2bd: {  	v9 =	vadd.f32 s17, v8  }
0x2be: {  	[tilespmem:s14+$0x10] =	vst v7  }
0x2bf: {  	[tilespmem:s13+$0x10] =	vst v9  }
0x2c0: {  	v7 =	vld [tilespmem:s15+$0x20];
	_ =	sdelay $0x2  }
0x2c1: {  	(xrf0) =	vmax.scan.msk.f32 $0xffff, v5;
	_ =	sdelay $0x1  }
0x2c2: {  	(xrf0) =	vmax.scan.msk.f32 $0xffff, v7;
	_ =	sdelay $0x1  }
0x2c3: {  	(v2sf) =	vpush v6, $0xF  }
0x2c4: {  	(v2sf) =	vpush v8, $0xF  }
0x2c5: {  	v5, _, _ =	vpop (xrf0)  }
0x2c6: {  	v5 =	vbroadcast v5, $0xF  }
0x2c7: {  	v6, _, _ =	vpop (xrf0)  }
0x2c8: {  	v5 =	vmax.f32 v6, v5  }
0x2c9: {  	v6 =	vmul.f32 v5, v5  }
0x2ca: {  	(xrf2) =	vadd.scan.msk.f32 $0xffff, v5  }
0x2cb: {  	(xrf2) =	vadd.scan.msk.f32 $0xffff, v6;
	_ =	sdelay $0x6  }
0x2cc: {  	s25 =	spop (v2sf)  }
0x2cd: {  	s16 =	sadd.f32 s25, s16;
	s26 =	spop (v2sf)  }
0x2ce: {  	s17 =	sadd.f32 s26, s17;
	v6, _, _ =	vpop (xrf2)  }
0x2cf: {  	v7 =	vadd.f32 s16, v6;
	v8, _, _ =	vpop (xrf2)  }
0x2d0: {  	v9 =	vadd.f32 s17, v8  }
0x2d1: {  	[tilespmem:s14+$0x20] =	vst v7  }
0x2d2: {  	[tilespmem:s13+$0x20] =	vst v9  }
0x2d3: {  	v7 =	vld [tilespmem:s15+$0x30];
	_ =	sdelay $0x2  }
0x2d4: {  	(xrf0) =	vmax.scan.msk.f32 $0xffff, v5;
	_ =	sdelay $0x1  }
0x2d5: {  	(xrf0) =	vmax.scan.msk.f32 $0xffff, v7;
	_ =	sdelay $0x3  }
0x2d6: {  	v5, _, _ =	vpop (xrf0)  }
0x2d7: {  	v5 =	vbroadcast v5, $0xF  }
0x2d8: {  	v7, _, _ =	vpop (xrf0)  }
0x2d9: {  	v5 =	vmax.f32 v7, v5  }
0x2da: {  	(v2sf) =	vpush v6, $0xF;
	v7 =	vmul.f32 v5, v5;
	(xrf2) =	vadd.scan.msk.f32 $0xffff, v5  }
0x2db: {  	(v2sf) =	vpush v8, $0xF  }
0x2dc: {  	(xrf2) =	vadd.scan.msk.f32 $0xffff, v7  }
0x2dd: {  	(xrf0) =	vmax.scan.msk.f32 $0xffff, v5;
	_ =	sdelay $0x5  }
0x2de: {  	v5, _, _ =	vpop (xrf0)  }
0x2df: {  	(v2sf) =	vpush v5, $0xF;
	v5, _, _ =	vpop (xrf2)  }
0x2e0: {  	(v2sf) =	vpush v5, $0xF  }
0x2e1: {  	s24 =	simm.s32 $0x1;
	s25 =	simm.s32 $0x11;
	v6, _, _ =	vpop (xrf2)  }
0x2e2: {  	v20 =	vadd.s32 s24, v3;
	v18 =	vadd.s32 s25, v3;
	(v2sf) =	vpush v6, $0xF  }
0x2e3: {  	v21 =	vcvt.s32.f32 v18;
	v9 =	vcvt.s32.f32 v20  }
0x2e4: {  	s28 =	spop (v2sf)  }
0x2e5: {  	s26 =	simm.s32 $0x21;
	(erf) = vrcp.f32 v21;
	v22 =	vsub.f32 $4.096000000e+03, v9;
	s15 =	sadd.f32 s28, s16;
	s29 =	spop (v2sf)  }
0x2e6: {  	v15 =	vadd.s32 s26, v3;
	v23 =	vsub.f32 $4.096000000e+03, v21;
	(erf) = vrcp.f32 v9;
	s30 =	sadd.f32 s29, s17  }
0x2e7: {  	v25 =	vcvt.s32.f32 v15;
	(erf) = vrcp.f32 v22;
	v5 =	vadd.f32 s15, v5  }
0x2e8: {  	(erf) = vrcp.f32 v23;
	v6 =	vadd.f32 s30, v6  }
0x2e9: {  	(erf) = vrcp.f32 v25;
	s28 =	simm.s32 $0x31;
	[tilespmem:s14+$0x30] =	vst v5  }
0x2ea: {  	s22 =	simm.s32 $0x5040;
	v13 =	vadd.s32 s28, v3;
	[tilespmem:s13+$0x30] =	vst v6  }
0x2eb: {  	s23 =	simm.s32 $0x4040;
	s29 =	simm.s32 $0x41;
	v27 =	vcvt.s32.f32 v13;
	v12 =	vld [tilespmem:s22+$0x10]  }
0x2ec: {  	v19 =	vimm.f32 $3.000000010e+38;
	v30 =	vsub.f32 $4.096000000e+03, v25;
	v11 =	vadd.s32 s29, v3;
	v24 =	vld [tilespmem:s23+$0xFFFFFFC0]  }
0x2ed: {  	v17 =	vimm.s32 $0x40000000;
	v28 =	vcvt.s32.f32 v11;
	(erf) = vrcp.f32 v27;
	v26 =	vld [tilespmem:s23+$0xFFFFFFD0]  }
0x2ee: {  	s21 =	simm.s32 $0x71;
	vm4 =	vlt.u32 v20, $0x1000;
	v34 =	vpop (erf);
	v31 =	vsub.f32 $4.096000000e+03, v27;
	(erf) = vrcp.f32 v30;
	v32 =	vld [tilespmem:s23+$0xFFFFFFF0];
	s31 =	spop (v2sf)  }
0x2ef: {  	v8 =	vadd.s32 s21, v3;
	v37 =	vpop (erf);
	v33 =	vsub.f32 $4.096000000e+03, v28;
	(erf) = vrcp.f32 v28;
	v35 =	vld [tilespmem:s23+$0xFFFFFFE0];
	s17 =	spop (v2sf)  }
0x2f0: {  	vm2 =	vlt.u32 v18, $0x1000;
	v45 =	vcvt.s32.f32 v8;
	v39 =	vpop (erf);
	(erf) = vrcp.f32 v31;
	v40 =	vld [tilespmem:s23+$0x0];
	s18 =	sadd.f32 s17, s15  }
0x2f1: {  	vm1 =	vlt.u32 v15, $0x1000;
	v56 =	vpop (erf);
	vm3 =	vlt.u32 v13, $0x1000;
	(erf) = vrcp.f32 v33;
	v60 =	vld [tilespmem:s23+$0x30];
	s19 =	spop (v2sf)  }
0x2f2: {  	v44 =	vpop (erf);
	vm0 =	vlt.u32 v11, $0x1000;
	(erf) = vrcp.f32 v45;
	v10 =	vld [tilespmem:s22+$0x20];
	s20 =	sadd.f32 s19, s30;
	v5 =	vmov s18;
	s30 =	simm.s32 $0x51  }
0x2f3: {  	v29 =	vld [tilespmem:s22+$0xFFFFFFD0];
	v34 =	vmul.f32 v26, v34;
	v7 =	vadd.s32 s30, v3;
	v36 =	vsub.f32 v5, v24  }
0x2f4: {  	v38 =	vld [tilespmem:s22+$0xFFFFFFC0];
	v26 =	vsub.f32 v5, v26;
	v24 =	vmul.f32 v24, v37;
	v57 =	vsub.f32 v5, v32  }
0x2f5: {  	v62 =	vld [tilespmem:s22+$0xFFFFFFF0];
	v42 =	vsub.f32 v5, v35;
	v58 =	vsub.f32 v5, v40;
	v35 =	vmul.f32 v35, v44  }
0x2f6: {  	v54 =	vsub.f32 v5, v60;
	v6 =	vmov s20;
	v37 =	vcvt.s32.f32 v7  }
0x2f7: {  	v14 =	vsub.f32 v6, v12;
	v16 =	vsub.f32 v6, v10;
	v36 =	vmul.f32 v36, v39  }
0x2f8: {  	v55 =	vsub.f32 v6, v29;
	v26 =	vmul.f32 v26, v56;
	v41 =	vmul.f32 v9, v24  }
0x2f9: {  	v9 =	vmul.f32 v21, v34;
	v43 =	vsub.f32 v6, v38;
	v25 =	vmul.f32 v25, v35  }
0x2fa: {  	v61 =	vld [tilespmem:s23+$0x20];
	s31 =	simm.s32 $0x61;
	v56 =	vsub.f32 v6, v62;
	v22 =	vmul.f32 v36, v22;
	v24 =	vmul.f32 v41, v24  }
0x2fb: {  	v21 =	vmul.f32 v26, v23;
	v23 =	vld [tilespmem:s22+$0xFFFFFFE0];
	v34 =	vmul.f32 v9, v34;
	v9 =	vadd.s32 s31, v3  }
0x2fc: {  	v47 =	vcvt.s32.f32 v9;
	v22 =	vmul.f32 v22, v36;
	v24 =	vsub.f32 v38, v24  }
0x2fd: {  	v21 =	vmul.f32 v21, v26;
	v38 =	vsub.f32 $4.096000000e+03, v37;
	v29 =	vsub.f32 v29, v34  }
0x2fe: {  	v63 =	vld [tilespmem:s22+$0x0];
	v25 =	vmul.f32 v25, v35;
	v26 =	vpop (erf);
	v41 =	vsub.f32 $4.096000000e+03, v47;
	v22 =	vsub.f32 v43, v22  }
0x2ff: {  	v26 =	vmul.f32 v32, v26;
	v46 =	vpop (erf);
	v43 =	vsub.f32 $4.096000000e+03, v45;
	v21 =	vsub.f32 v55, v21  }
0x300: {  	v32 =	vld [tilespmem:s23+$0x10];
	v48 =	vpop (erf);
	v42 =	vmul.f32 v42, v46;
	v55 =	vsub.f32 v5, v61;
	v49 =	vsub.f32 v6, v23  }
0x301: {  	v27 =	vmul.f32 v27, v26;
	v50 =	vpop (erf);
	v40 =	vmul.f32 v40, v48;
	v23 =	vsub.f32 v23, v25  }
0x302: {  	(erf) = vrcp.f32 v43;
	v59 =	vpop (erf);
	v22 =	vadd.f32 v22, v24;
	v24 =	vmul.f32 v42, v30  }
0x303: {  	v39 =	vmul.f32 v57, v50;
	v30 =	vsub.f32 v6, v63;
	v36 =	vmul.f32 v58, v59  }
0x304: {  	v21 =	vadd.f32 v21, v29;
	(erf) = vrcp.f32 v37;
	v26 =	vmul.f32 v27, v26  }
0x305: {  	v28 =	vmul.f32 v28, v40;
	v51 =	vpop (erf);
	v27 =	vsub.f32 v5, v32;
	(erf) = vrcp.f32 v47  }
0x306: {  	v22 =	vnsel vm4, $0x7F61B1E6, v22;
	v48 =	vmul.f32 v60, v51;
	v31 =	vmul.f32 v39, v31  }
0x307: {  	v24 =	vmul.f32 v24, v42;
	v21 =	vnsel vm2, $0x7F61B1E6, v21;
	(erf) = vrcp.f32 v38  }
0x308: {  	v33 =	vmul.f32 v36, v33;
	vm4 =	vlt.f32 v22, v19;
	(erf) = vrcp.f32 v41  }
0x309: {  	v28 =	vmul.f32 v28, v40;
	v19 =	vsel vm4, v22, v19;
	v22 =	vsub.f32 v62, v26  }
0x30a: {  	v26 =	vmul.f32 v31, v39;
	v24 =	vsub.f32 v49, v24;
	vm2 =	vlt.f32 v21, v19  }
0x30b: {  	v17 =	vsel vm4, v20, v17;
	v33 =	vmul.f32 v33, v36;
	v21 =	vsel vm2, v21, v19  }
0x30c: {  	v19 =	vsub.f32 v56, v26;
	v17 =	vsel vm2, v18, v17;
	v18 =	vadd.f32 v24, v23;
	v25 =	vpop (erf)  }
0x30d: {  	v57 =	vmul.f32 v45, v48;
	v28 =	vsub.f32 v63, v28;
	v30 =	vsub.f32 v30, v33;
	v58 =	vpop (erf)  }
0x30e: {  	v22 =	vadd.f32 v19, v22;
	v18 =	vnsel vm1, $0x7F61B1E6, v18;
	v20 =	vmul.f32 v32, v58  }
0x30f: {  	v19 =	vmul.f32 v57, v48;
	v26 =	vadd.f32 v30, v28;
	vm1 =	vlt.f32 v18, v21;
	v59 =	vpop (erf)  }
0x310: {  	v22 =	vnsel vm3, $0x7F61B1E6, v22;
	v18 =	vsel vm1, v18, v21;
	v60 =	vpop (erf);
	v23 =	vmul.f32 v37, v20  }
0x311: {  	v15 =	vsel vm1, v15, v17;
	v61 =	vmul.f32 v61, v59;
	v24 =	vpop (erf);
	v27 =	vmul.f32 v27, v60  }
0x312: {  	vm1 =	vlt.u32 v7, $0x1000;
	v24 =	vmul.f32 v55, v24;
	v21 =	vmul.f32 v23, v20  }
0x313: {  	vm2 =	vlt.f32 v22, v18;
	v23 =	vmul.f32 v47, v61;
	v63 =	vmul.f32 v27, v38  }
0x314: {  	v26 =	vnsel vm0, $0x7F61B1E6, v26;
	vm0 =	vlt.u32 v9, $0x1000;
	v20 =	vld [tilespmem:s22+$0x30];
	v62 =	vmul.f32 v24, v41  }
0x315: {  	v18 =	vsel vm2, v22, v18;
	v17 =	vmul.f32 v23, v61;
	v22 =	vmul.f32 v63, v27  }
0x316: {  	v13 =	vsel vm2, v13, v15;
	v23 =	vmul.f32 v62, v24;
	v24 =	vmul.f32 v54, v25  }
0x317: {  	vm2 =	vlt.f32 v26, v18;
	v12 =	vsub.f32 v12, v21;
	v14 =	vsub.f32 v14, v22  }
0x318: {  	v17 =	vsub.f32 v10, v17;
	v16 =	vsub.f32 v16, v23;
	v21 =	vmul.f32 v24, v43  }
0x319: {  	s16 =	simm.s32 $0x40C0;
	v10 =	vsub.f32 v6, v20;
	v14 =	vadd.f32 v14, v12;
	v12 =	vsel vm2, v26, v18  }
0x31a: {  	s14 =	simm.s32 $0xF1;
	s13 =	simm.s32 $0x0;
	s15 =	simm.s32 $0x50C0;
	v15 =	vmul.f32 v21, v24;
	v24 =	vsel vm2, v11, v13;
	v13 =	vadd.f32 v16, v17  }
.LBB2_11:
0x31b: {  	s17 =	sadd.s32 $0xFFFFFF90, s14  }
0x31c: {  	s18 =	sadd.s32 $0xFFFFFFA0, s14;
	s19 =	sadd.s32 $0xFFFFFFB0, s14;
	v11 =	vnsel vm1, $0x7F61B1E6, v14;
	v15 =	vsub.f32 v10, v15;
	vm1 =	vlt.u32 v8, $0x1000  }
0x31d: {  	s20 =	sadd.s32 $0xFFFFFFD0, s14;
	v18 =	vadd.s32 s17, v3;
	v16 =	vadd.s32 s18, v3;
	s18 =	sadd.s32 $0xFFFFFFC0, s14;
	v10 =	vld [tilespmem:s15+$0x10];
	s17 =	sadd.s32 $0xFFFFFFF0, s14;
	vm5 =	vlt.f32 v11, v12  }
0x31e: {  	s13 =	sadd.s32 $0x8, s13;
	v25 =	vcvt.s32.f32 v18;
	v26 =	vcvt.s32.f32 v16;
	v22 =	vsel vm5, v11, v12  }
0x31f: {  	v17 =	vsub.f32 v20, v19;
	v14 =	vadd.s32 s19, v3;
	p0 =	slt.u32 s13, $0xF8;
	v11 =	vadd.s32 s18, v3;
	v12 =	vld [tilespmem:s15+$0x20]  }
0x320: {  	v28 =	vnsel vm0, $0x7F61B1E6, v13;
	v27 =	vsub.f32 $4.096000000e+03, v25;
	(erf) = vrcp.f32 v26  }
0x321: {  	v30 =	vadd.f32 v15, v17;
	v29 =	vsub.f32 $4.096000000e+03, v26;
	v19 =	vld [tilespmem:s16+$0x20];
	(erf) = vrcp.f32 v25  }
0x322: {  	v13 =	vadd.s32 s20, v3;
	v20 =	vld [tilespmem:s15+$0xFFFFFFF0];
	v15 =	vsub.f32 v6, v10;
	(erf) = vrcp.f32 v27  }
0x323: {  	v23 =	vcvt.s32.f32 v14;
	vm3 =	vlt.f32 v28, v22;
	v21 =	vld [tilespmem:s15+$0x0];
	(erf) = vrcp.f32 v29  }
0x324: {  	v22 =	vsel vm3, v28, v22;
	v28 =	vnsel vm1, $0x7F61B1E6, v30;
	v31 =	vld [tilespmem:s16+$0xFFFFFFD0];
	v17 =	vsub.f32 v6, v12  }
0x325: {  	v33 =	vcvt.s32.f32 v13;
	v32 =	vcvt.s32.f32 v11;
	vm4 =	vlt.f32 v28, v22;
	v30 =	vld [tilespmem:s16+$0xFFFFFFC0]  }
0x326: {  	vm2 =	vlt.u32 v16, $0x1000;
	vm1 =	vlt.u32 v14, $0x1000;
	v34 =	vld [tilespmem:s15+$0xFFFFFFD0];
	(erf) = vrcp.f32 v23  }
0x327: {  	v35 =	vsub.f32 $4.096000000e+03, v23;
	v36 =	vsub.f32 $4.096000000e+03, v32;
	v22 =	vsel vm4, v28, v22  }
0x328: {  	vm0 =	vlt.u32 v13, $0x1000;
	s18 =	sadd.s32 $0xFFFFFFE0, s14;
	v37 =	vsub.f32 $4.096000000e+03, v33;
	v28 =	vld [tilespmem:s16+$0xFFFFFFF0];
	(erf) = vrcp.f32 v32  }
0x329: {  	v39 =	vadd.s32 s14, v3;
	v41 =	vsel vm5, v7, v24;
	v7 =	vadd.s32 s18, v3;
	v38 =	vld [tilespmem:s16+$0xFFFFFFE0];
	v40 =	vpop (erf)  }
0x32a: {  	v24 =	vsub.f32 v5, v30;
	v40 =	vmul.f32 v31, v40;
	v42 =	vld [tilespmem:s16+$0x0];
	v43 =	vpop (erf);
	(erf) = vrcp.f32 v35  }
0x32b: {  	v31 =	vsub.f32 v5, v31;
	v44 =	vld [tilespmem:s15+$0xFFFFFFC0];
	v30 =	vmul.f32 v30, v43;
	v43 =	vpop (erf);
	(erf) = vrcp.f32 v33  }
0x32c: {  	v24 =	vmul.f32 v24, v43;
	v43 =	vsub.f32 v6, v34;
	v45 =	vpop (erf);
	(erf) = vrcp.f32 v36  }
0x32d: {  	v31 =	vmul.f32 v31, v45;
	v45 =	vsub.f32 v5, v28;
	(erf) = vrcp.f32 v37  }
0x32e: {  	v25 =	vmul.f32 v25, v30;
	v27 =	vmul.f32 v24, v27;
	v46 =	vsub.f32 v5, v38  }
0x32f: {  	v26 =	vmul.f32 v26, v40;
	v29 =	vmul.f32 v31, v29;
	v47 =	vld [tilespmem:s15+$0xFFFFFFE0];
	v48 =	vsub.f32 v5, v42;
	v49 =	vpop (erf)  }
0x330: {  	v50 =	vsub.f32 v6, v44;
	v24 =	vmul.f32 v27, v24;
	v27 =	vcvt.s32.f32 v39  }
0x331: {  	v26 =	vmul.f32 v26, v40;
	v29 =	vmul.f32 v29, v31;
	v31 =	vadd.s32 s17, v3;
	v40 =	vpop (erf)  }
0x332: {  	v50 =	vsub.f32 v50, v24;
	v51 =	vcvt.s32.f32 v31;
	(erf) = vrcp.f32 v27  }
0x333: {  	v28 =	vmul.f32 v28, v40;
	v24 =	vsub.f32 $4.096000000e+03, v27;
	v29 =	vsub.f32 v43, v29;
	v40 =	vld [tilespmem:s16+$0x10];
	v43 =	vpop (erf)  }
0x334: {  	v53 =	vcvt.s32.f32 v7;
	v9 =	vsel vm3, v9, v41;
	v52 =	vsub.f32 v6, v47;
	v54 =	vpop (erf)  }
0x335: {  	v55 =	vsel vm4, v8, v9;
	v32 =	vmul.f32 v32, v28;
	v41 =	vpop (erf);
	(erf) = vrcp.f32 v24  }
0x336: {  	v25 =	vmul.f32 v25, v30;
	v30 =	vmul.f32 v42, v54;
	v42 =	vsub.f32 $4.096000000e+03, v51;
	v8 =	vpop (erf)  }
0x337: {  	vm3 =	vlt.u32 v11, $0x1000;
	v9 =	vmovc v31;
	v48 =	vmul.f32 v48, v8;
	v54 =	vld [tilespmem:s16+$0x30];
	(erf) = vrcp.f32 v53;
	v8 =	vmovc v39  }
0x338: {  	v31 =	vmul.f32 v46, v43;
	v28 =	vmul.f32 v32, v28;
	v32 =	vsub.f32 v5, v40  }
0x339: {  	v38 =	vmul.f32 v38, v49;
	v25 =	vsub.f32 v44, v25;
	v39 =	vsub.f32 $4.096000000e+03, v53  }
0x33a: {  	vm4 =	vlt.u32 v18, $0x1000;
	v33 =	vmul.f32 v33, v30;
	(erf) = vrcp.f32 v51  }
0x33b: {  	v25 =	vadd.f32 v50, v25;
	v35 =	vmul.f32 v31, v35;
	(erf) = vrcp.f32 v39;
	v43 =	vpop (erf)  }
0x33c: {  	v41 =	vmul.f32 v45, v41;
	v37 =	vmul.f32 v48, v37;
	v44 =	vsub.f32 v5, v54  }
0x33d: {  	v23 =	vmul.f32 v23, v38;
	v25 =	vnsel vm4, $0x7F61B1E6, v25;
	v43 =	vmul.f32 v54, v43  }
0x33e: {  	v45 =	vsub.f32 v5, v19;
	v37 =	vmul.f32 v37, v48;
	(erf) = vrcp.f32 v42;
	v46 =	vpop (erf)  }
0x33f: {  	v36 =	vmul.f32 v41, v36;
	v30 =	vmul.f32 v33, v30;
	v48 =	vsub.f32 v6, v20  }
0x340: {  	v26 =	vsub.f32 v34, v26;
	v23 =	vmul.f32 v23, v38;
	v27 =	vmul.f32 v27, v43;
	v33 =	vpop (erf)  }
0x341: {  	v34 =	vmul.f32 v35, v31;
	v30 =	vsub.f32 v21, v30;
	v21 =	vsub.f32 v6, v21  }
0x342: {  	v26 =	vadd.f32 v29, v26;
	v23 =	vsub.f32 v47, v23;
	vm4 =	vlt.f32 v25, v22  }
0x343: {  	v22 =	vsel vm4, v25, v22;
	v25 =	vmul.f32 v36, v41;
	v20 =	vsub.f32 v20, v28;
	v28 =	vpop (erf)  }
0x344: {  	v26 =	vnsel vm2, $0x7F61B1E6, v26;
	v29 =	vsub.f32 v52, v34;
	v21 =	vsub.f32 v21, v37;
	v31 =	vpop (erf)  }
0x345: {  	v18 =	vsel vm4, v18, v55;
	vm2 =	vlt.f32 v26, v22;
	v33 =	vmul.f32 v40, v33  }
0x346: {  	v22 =	vsel vm2, v26, v22;
	v25 =	vsub.f32 v48, v25;
	v21 =	vadd.f32 v21, v30  }
0x347: {  	v16 =	vsel vm2, v16, v18;
	v18 =	vadd.f32 v29, v23;
	v23 =	vmul.f32 v53, v33;
	v26 =	vpop (erf)  }
0x348: {  	v20 =	vadd.f32 v25, v20;
	v25 =	vmul.f32 v32, v31;
	v26 =	vmul.f32 v45, v26  }
0x349: {  	v18 =	vnsel vm1, $0x7F61B1E6, v18;
	v28 =	vmul.f32 v19, v28;
	v19 =	vmul.f32 v27, v43  }
0x34a: {  	vm1 =	vlt.f32 v18, v22;
	v27 =	vnsel vm3, $0x7F61B1E6, v20;
	v29 =	vmul.f32 v26, v42  }
0x34b: {  	v18 =	vsel vm1, v18, v22;
	v22 =	vmul.f32 v23, v33;
	v23 =	vmul.f32 v51, v28  }
0x34c: {  	v21 =	vnsel vm0, $0x7F61B1E6, v21;
	vm2 =	vlt.f32 v27, v18;
	v30 =	vmul.f32 v25, v39;
	v20 =	vld [tilespmem:s15+$0x30]  }
0x34d: {  	v14 =	vsel vm1, v14, v16;
	v16 =	vmul.f32 v23, v28;
	v23 =	vmul.f32 v29, v26  }
0x34e: {  	v18 =	vsel vm2, v27, v18;
	v25 =	vmul.f32 v30, v25;
	v26 =	vmul.f32 v44, v46  }
.Ltmp5:
0x34f: {  	vm1 =	vlt.u32 v7, $0x1000;
	v22 =	vsub.f32 v10, v22;
	v17 =	vsub.f32 v17, v23;
	(pc) =	sbr.rel @p0 .LBB2_11-.Ltmp5, $4  }
0x350: {  	v16 =	vsub.f32 v12, v16;
	v15 =	vsub.f32 v15, v25;
	v12 =	vmul.f32 v26, v24  }
0x351: {  	v11 =	vsel vm2, v11, v14;
	vm2 =	vlt.f32 v21, v18;
	v10 =	vsub.f32 v6, v20  }
0x352: {  	vm0 =	vlt.u32 v9, $0x1000;
	v14 =	vadd.f32 v15, v22;
	v15 =	vmul.f32 v12, v26  }
0x353: {  	s14 =	sadd.s32 $0x80, s14;
	s16 =	sadd.s32 $0x80, s16;
	s15 =	sadd.s32 $0x80, s15;
	v24 =	vsel vm2, v13, v11;
	v12 =	vsel vm2, v21, v18;
	v13 =	vadd.f32 v17, v16  }
0x354: {  	v5 =	vnsel vm1, $0x7F61B1E6, v14;
	v6 =	vsub.f32 v10, v15;
	v60 =	vsub.f32 v20, v19  }
0x355: {  	vm1 =	vlt.f32 v5, v12  }
0x356: {  	v11 =	vnsel vm0, $0x7F61B1E6, v13;
	v5 =	vsel vm1, v5, v12;
	v6 =	vadd.f32 v6, v60  }
0x357: {  	vm14 =	vlt.u32 v8, $0x1000;
	vm2 =	vlt.f32 v11, v5  }
0x358: {  	v5 =	vsel vm2, v11, v5;
	v6 =	vnsel vm14, $0x7F61B1E6, v6  }
0x359: {  	vm0 =	vlt.f32 v6, v5  }
0x35a: {  	v5 =	vsel vm0, v6, v5  }
0x35b: {  	(xrf0) =	vmin.scan.msk.f32 $0xffff, v5;
	_ =	sdelay $0x5  }
0x35c: {  	v61 =	vsel vm1, v7, v24;
	v62, _, _ =	vpop (xrf0)  }
0x35d: {  	v6 =	vsel vm2, v9, v61;
	v7 =	vbroadcast v62, $0xF  }
0x35e: {  	v6 =	vsel vm0, v8, v6  }
0x35f: {  	vm15 =	veq.f32 v5, v7;
	v5 =	vxor.u32 $0x80000000, v6  }
0x360: {  	v5 =	vnsel vm15, $0xC0000000, v5  }
0x361: {  	(xrf0) =	vmin.scan.msk.u32 $0xffff, v5;
	_ =	sdelay $0x5  }
0x362: {  	v5, _, _ =	vpop (xrf0)  }
0x363: {  	(v2sf) =	vpush v5, $0xF;
	_ =	sdelay $0x9  }
0x364: {  	(xrf2) =	vadd.scan.msk.f32 $0xffff, v4;
	_ =	sdelay $0x4  }
0x365: {  	s13 =	spop (v2sf)  }
0x366: {  	s14 =	sxor.u32 $0x80000000, s13  }
0x367: {  	v4 =	vmov s14  }
0x368: {  	v4 =	vcvt.s32.f32 v4;
	_ =	sdelay $0x1  }
0x369: {  	v5, _, _ =	vpop (xrf2);
	v4 =	vbroadcast v4, $0x0  }
0x36a: {  	v5 =	vbroadcast v5, $0xF  }
0x36b: {  	(erf) = vrcp.f32 v4  }
0x36c: {  	(erf) = vrcp.f32 v5  }
0x36d: {  	s13 =	sadd.s32 $0x7FFFFFFF, s13  }
0x36e: {  	v4 =	vmov s13;
	_ =	sdelay $0x4  }
0x36f: {  	v4 =	vld.idx.msk [tilespmem:v4+s10+$0x0], $0xffff  }
0x370: {  	v5 =	vpop (erf)  }
0x371: {  	v63 =	vpop (erf)  }
0x372: {  	v6 =	vmul.f32 v7, v63;
	_ =	sdelay $0x1  }
0x373: {  	v4 =	vmul.f32 v4, v5;
	v5 =	vmul.f32 $1.000000010e-01, v6;
	_ =	sdelay $0x1  }
0x374: {  	s12 =	sadd.s32 $0x1, s12;
	v4 =	vadd.f32 v4, v5  }
0x375: {  	p0 =	sne.s32 s12, s4  }
.Ltmp6:
0x376: {  	[tilespmem:$0x6000] =	vst v4;
	(pc) =	sbr.rel @p0 .LBB2_2-.Ltmp6, $4  }
0x377: {  	[hbm4b:s1+s5] =	stream.linear.scatter [tilespmem:s11], [sflag:$0x1], $0x80, $0x38;
	[tilespmem:$0x6080] =	vst v63  }
0x378: {  	_ =	swait.ge [sflag:s6], $0x80  }
0x379: {  	[sflag:s6] =	ssyncset.done $0x0  }
0x37a: {  	[sflag:s6] =	ssyncadd.s32 $0xFFFFFF80  }
.LBB2_13:
0x37b: {  	_ =	sfence.sel $0x180000  }
0x37c: {  	[bflag:$0x0] =	sbarrier.arrive $0xFFFF  }
0x37d: {  	p0 =	sne.s32 s2, $0x0;
	_ =	strace $0x90000047  }
0x37e: {  	s0 =	sadd.s32 @!p0 $0x100000, s0;
	[bflag:$0x2] =	sbarrier.arrive $0xFFFF  }
0x37f: {  	[sflag:s0] =	ssyncadd.tile.s32 @!p0 $0x1;
	_ =	shalt  }
.Lfunc_end2:
_tile_overlayer_lowered:
.L_overlay_start_2:
0x380: {  	(tag) =	ssettag $0x2  }
0x381: {  	s0 =	rddreg [dreg:$0x0];
	s2 =	stileid.u32  }
0x382: {  	s1 =	rddreg [dreg:$0x1];
	p0 =	sne.s32 s2, $0x0  }
0x383: {  	s3 =	rddreg [dreg:$0x2];
	[bflag:$0x3] =	sbarrier.arrive $0xFFFF;
	s2 =	simm.s32 @!p0 $0x1C01  }
0x384: {  	[timem:s3], [sflag:s2] =	dma.local @!p0 [hbm:s0], s1  }
0x385: {  	s0 =	simm.s32 @!p0 $0x1  }
0x386: {  	_ =	swait.ge @!p0 [sflag:s0], s1  }
0x387: {  	s1 =	ssub.s32 @!p0 $0x0, s1;
	[sflag:s0] =	ssyncset.done @!p0 $0x0  }
0x388: {  	[sflag:s0] =	ssyncadd.s32 @!p0 s1  }
0x389: {  	[bflag:$0x3] =	sbarrier.arrive $0xFFFF  }
0x38a: {  	_ =	shalt  }

</sc_bundles>
